<compile_context>
chip_gen: v7x
topology: tpu7x:2x2x1
jax: 0.10.2.dev20260603
libtpu: 0.0.44.dev20260713+nightly
codegen_flags: <defaults>
</compile_context>

<pallas_src>
import functools

import jax
import jax.numpy as jnp
from jax import lax
from jax.experimental import pallas as pl
from jax.experimental.pallas import tpu as pltpu
from jax.experimental.pallas import tpu_sc as plsc

N = 10000
E = 160000
IN_DIM = 256
GRAPH_DIM = 256
NUM_GRAPH = 4
NPAIR = NUM_GRAPH

BLK = 2048
NB = (N + BLK - 1) // BLK

NC, NS, L = 2, 16, 16
NW = NC * NS
EB = 128
EPT = 5120
LAST = NW - 1
EPT_LAST = E - LAST * EPT
GROUPS = EPT // L
GROUPS_LAST = EPT_LAST // L


def _rne_bf16_bits(u):
    return u + jnp.uint32(0x7FFF) + ((u >> 16) & jnp.uint32(1))


def _tc_pt_body(x_ref, wl_ref, bl_ref, wg_ref, pt_ref):
    wg = wg_ref[...]
    ge = jnp.concatenate(
        [wg[0:1, :GRAPH_DIM], wg[2:3, :GRAPH_DIM],
         wg[0:1, GRAPH_DIM:], wg[2:3, GRAPH_DIM:]], axis=0)
    go = jnp.concatenate(
        [wg[1:2, :GRAPH_DIM], wg[3:4, :GRAPH_DIM],
         wg[1:2, GRAPH_DIM:], wg[3:4, GRAPH_DIM:]], axis=0)
    w2e = lax.dot_general(ge, wl_ref[...], (((1,), (1,)), ((), ())),
                          preferred_element_type=jnp.float32)
    w2o = lax.dot_general(go, wl_ref[...], (((1,), (1,)), ((), ())),
                          preferred_element_type=jnp.float32)
    ce = lax.dot_general(ge, bl_ref[...], (((1,), (1,)), ((), ())),
                         preferred_element_type=jnp.float32)
    co = lax.dot_general(go, bl_ref[...], (((1,), (1,)), ((), ())),
                         preferred_element_type=jnp.float32)
    pte = lax.dot_general(w2e, x_ref[...], (((1,), (1,)), ((), ())),
                          preferred_element_type=jnp.float32) + ce
    pto = lax.dot_general(w2o, x_ref[...], (((1,), (1,)), ((), ())),
                          preferred_element_type=jnp.float32) + co
    ue = lax.bitcast_convert_type(pte, jnp.uint32)
    uo = lax.bitcast_convert_type(pto, jnp.uint32)
    packed = ((_rne_bf16_bits(uo) & jnp.uint32(0xFFFF0000))
              | (_rne_bf16_bits(ue) >> 16))
    pt_ref[...] = lax.bitcast_convert_type(packed, jnp.int32)


def _tc_pt(x, W_lin, b_lin, W_gate):
    x = pltpu.with_memory_space_constraint(x, pltpu.MemorySpace.HBM)
    return pl.pallas_call(
        _tc_pt_body,
        grid=(NB,),
        in_specs=[
            pl.BlockSpec((BLK, IN_DIM), lambda i: (i, 0)),
            pl.BlockSpec((IN_DIM, GRAPH_DIM), lambda i: (0, 0)),
            pl.BlockSpec((1, GRAPH_DIM), lambda i: (0, 0)),
            pl.BlockSpec((NUM_GRAPH, 2 * GRAPH_DIM), lambda i: (0, 0)),
        ],
        out_specs=pl.BlockSpec((NPAIR, BLK), lambda i: (0, i)),
        out_shape=jax.ShapeDtypeStruct((NPAIR, N), jnp.int32),
    )(x, W_lin, b_lin, W_gate)


def _tc_h_body(x_ref, wl_ref, bl_ref, h_ref):
    h_ref[...] = (
        jnp.dot(x_ref[...], wl_ref[...], preferred_element_type=jnp.float32)
        + bl_ref[...])


def _tc_h(x, W_lin, b_lin):
    return pl.pallas_call(
        _tc_h_body,
        grid=(NB,),
        in_specs=[
            pl.BlockSpec((BLK, IN_DIM), lambda i: (i, 0)),
            pl.BlockSpec((IN_DIM, GRAPH_DIM), lambda i: (0, 0)),
            pl.BlockSpec((1, GRAPH_DIM), lambda i: (0, 0)),
        ],
        out_specs=pl.BlockSpec((BLK, GRAPH_DIM), lambda i: (i, 0)),
        out_shape=jax.ShapeDtypeStruct((N, GRAPH_DIM), jnp.float32),
    )(x, W_lin, b_lin)


def _sc_body(pt_hbm, edge_hbm, bias_hbm, out_hbm, pt_v, ev_v, out_v, bias_v):
    wid = lax.axis_index("s") * NC + lax.axis_index("c")
    base = wid * EPT
    pltpu.sync_copy(pt_hbm, pt_v)
    pltpu.sync_copy(edge_hbm.at[:, pl.ds(base, EPT_LAST)],
                    ev_v.at[:, pl.ds(0, EPT_LAST)])
    tail_src = jnp.where(wid < LAST, base + EPT_LAST, 0)
    pltpu.sync_copy(edge_hbm.at[:, pl.ds(tail_src, EPT - EPT_LAST)],
                    ev_v.at[:, pl.ds(EPT_LAST, EPT - EPT_LAST)])

    pltpu.sync_copy(bias_hbm, bias_v)
    biases = [bias_v[k, :] for k in range(NUM_GRAPH)]
    himask = jnp.int32(-65536)

    def lo(w):
        return plsc.bitcast(w << 16, jnp.float32)

    def hi(w):
        return plsc.bitcast(w & himask, jnp.float32)

    @plsc.parallel_loop(0, GROUPS, unroll=8)
    def group(g):
        s = ev_v[0, pl.ds(g * L, L)]
        d = ev_v[1, pl.ds(g * L, L)]
        wd0 = plsc.load_gather(pt_v, [jnp.zeros((L,), jnp.int32), d])
        wd1 = plsc.load_gather(pt_v, [jnp.full((L,), 1, jnp.int32), d])
        ws0 = plsc.load_gather(pt_v, [jnp.full((L,), 2, jnp.int32), s])
        ws1 = plsc.load_gather(pt_v, [jnp.full((L,), 3, jnp.int32), s])
        ts = (lo(wd0) + lo(ws0) + biases[0],
              hi(wd0) + hi(ws0) + biases[1],
              lo(wd1) + lo(ws1) + biases[2],
              hi(wd1) + hi(ws1) + biases[3])
        obase = (g // 8) * (NUM_GRAPH * EB) + (g % 8) * L
        for k in range(NUM_GRAPH):
            out_v[pl.ds(obase + k * EB, L)] = 1.0 / (1.0 + jnp.exp(-ts[k]))

    head = EPT_LAST * NUM_GRAPH
    pltpu.sync_copy(out_v.at[pl.ds(0, head)],
                    out_hbm.at[pl.ds(base * NUM_GRAPH, head)])

    @pl.when(wid < LAST)
    def _():
        rest = (EPT - EPT_LAST) * NUM_GRAPH
        pltpu.sync_copy(out_v.at[pl.ds(head, rest)],
                        out_hbm.at[pl.ds(base * NUM_GRAPH + head, rest)])


@functools.partial(
    pl.kernel,
    mesh=plsc.VectorSubcoreMesh(core_axis_name="c", subcore_axis_name="s"),
    out_type=jax.ShapeDtypeStruct((E * NUM_GRAPH,), jnp.float32),
    compiler_params=pltpu.CompilerParams(needs_layout_passes=False),
    scratch_types=[
        pltpu.VMEM((NPAIR, N), jnp.int32),
        pltpu.VMEM((2, EPT), jnp.int32),
        pltpu.VMEM((EPT * NUM_GRAPH,), jnp.float32),
        pltpu.VMEM((NUM_GRAPH, L), jnp.float32),
    ],
)
def _sc_gate(pt_hbm, edge_hbm, bias_hbm, out_hbm, pt_v, ev_v, out_v, bias_v):
    _sc_body(pt_hbm, edge_hbm, bias_hbm, out_hbm, pt_v, ev_v, out_v, bias_v)


def kernel(x, edge_index, W_lin, b_lin, W_gate, b_gate):
    bl = b_lin.reshape(1, GRAPH_DIM)
    bias_b = jnp.broadcast_to(b_gate[:, None], (NUM_GRAPH, L))

    pt = _tc_pt(x, W_lin, bl, W_gate)
    out = _sc_gate(pt, edge_index, bias_b)
    h = _tc_h(x, W_lin, bl)
    factors = (out.reshape(E // EB, NUM_GRAPH, EB)
               .transpose(0, 2, 1)
               .reshape(E, NUM_GRAPH))
    return h, factors

# --- scband reference (transcript-rebuilt; emitter-appended) ---
"""Pipeline reference for scband-graph-learning-16956530884763 (READ-ONLY COPY).

The authoritative reference and input builder live on the scoring server;
editing this copy changes nothing except your own understanding.
"""

import jax, jax.numpy as jnp
import numpy as np

N = 10000
E = 160000
IN_DIM = 256
GRAPH_DIM = 256
NUM_GRAPH = 4


def setup_inputs(seed: int = 0) -> dict:
    key = jax.random.key(seed)
    ks = jax.random.split(key, 6)
    x = jax.random.normal(ks[0], (N, IN_DIM), dtype=jnp.float32)
    edge_index = jax.random.randint(ks[1], (2, E), 0, N, dtype=jnp.int32)
    # nn.Linear(in_dim, graph_dim)
    W_lin = jax.random.normal(ks[2], (IN_DIM, GRAPH_DIM), dtype=jnp.float32) * (1.0 / np.sqrt(IN_DIM))
    b_lin = jnp.zeros((GRAPH_DIM,), dtype=jnp.float32)
    # num_graph gates, each nn.Linear(2*graph_dim, 1); stacked as [NUM_GRAPH, 2*GRAPH_DIM]
    W_gate = jax.random.normal(ks[3], (NUM_GRAPH, 2 * GRAPH_DIM), dtype=jnp.float32) * (1.0 / np.sqrt(2 * GRAPH_DIM))
    b_gate = jnp.zeros((NUM_GRAPH,), dtype=jnp.float32)
    return {"x": x, "edge_index": edge_index, "W_lin": W_lin, "b_lin": b_lin, "W_gate": W_gate, "b_gate": b_gate}


def reference(x, edge_index, W_lin, b_lin, W_gate, b_gate):
    # GraphLearning.forward with param['dataset'] == 'zinc':
    # h = self.linear(x); g.ndata['h'] = h; g.apply_edges(self.edge_applying)
    h = x @ W_lin + b_lin  # [N, GRAPH_DIM]
    src = edge_index[0]
    dst = edge_index[1]
    # edge_applying: h_cat = cat([edges.dst['h'], edges.src['h']], dim=1)
    h_dst = jnp.take(h, dst, axis=0)  # [E, GRAPH_DIM]
    h_src = jnp.take(h, src, axis=0)  # [E, GRAPH_DIM]
    h_cat = jnp.concatenate([h_dst, h_src], axis=1)  # [E, 2*GRAPH_DIM]
    # for each gate num: e = sigmoid(gate[num](h_cat)).squeeze()  (zinc branch, no dropout)
    factors = jax.nn.sigmoid(h_cat @ W_gate.T + b_gate)  # [E, NUM_GRAPH]
    # forward returns g with ndata['h']=h and edata factor_* set; hidden = h
    return h, factors

if __name__ == "__main__":
    import jax
    _d = setup_inputs()
    print(jax.jit(kernel)(*tuple(_d.values())))

</pallas_src>

<mosaic_0001>
#map = affine_map<(d0, d1) -> (0, 0)>
#map1 = affine_map<(d0, d1) -> (0)>
module attributes {stable_mosaic.version = 14 : i64} {
  func.func @_sc_gate(%arg0: i32, %arg1: i32, %arg2: memref<4x10000xi32, #tpu.memory_space<hbm>>, %arg3: memref<2x160000xi32, #tpu.memory_space<hbm>>, %arg4: memref<4x16xf32, #tpu.memory_space<hbm>>, %arg5: memref<640000xf32, #tpu.memory_space<hbm>>, %arg6: memref<4x10000xi32, #tpu.memory_space<vmem>>, %arg7: memref<2x5120xi32, #tpu.memory_space<vmem>>, %arg8: memref<20480xf32, #tpu.memory_space<vmem>>, %arg9: memref<4x16xf32, #tpu.memory_space<vmem>>) attributes {dimension_semantics = [#tpu.dimension_semantics<core_parallel>, #tpu.dimension_semantics<subcore_parallel>], iteration_bounds = array<i64: 2, 16>, scalar_prefetch = 0 : i64, scratch_operands = 4 : i64, tpu.core_type = #tpu.core_type<sc_vector_subcore>, window_params = [{transform_indices = #map}, {transform_indices = #map}, {transform_indices = #map}, {transform_indices = #map1}]} {
    %mul3A = arith.constant 2 : i32
    %mul3A_0 = arith.muli %arg1, %mul3A : i32
    %add3A = arith.addi %mul3A_0, %arg0 : i32
    %mul3A_1 = arith.constant 5120 : i32
    %mul3A_2 = arith.muli %add3A, %mul3A_1 : i32
    "tpu.region"() ({
      %run_scoped3A = tpu.sem_alloc : memref<!tpu.dma_semaphore, #tpu.memory_space<semaphore_mem>>
      tpu.enqueue_dma source(%arg2 : memref<4x10000xi32, #tpu.memory_space<hbm>>) target(%arg6 : memref<4x10000xi32, #tpu.memory_space<vmem>>) target_semaphore(%run_scoped3A : memref<!tpu.dma_semaphore, #tpu.memory_space<semaphore_mem>>)
      tpu.wait_dma2 semaphore(%run_scoped3A : memref<!tpu.dma_semaphore, #tpu.memory_space<semaphore_mem>>) src(%arg2 : memref<4x10000xi32, #tpu.memory_space<hbm>>) dst(%arg6 : memref<4x10000xi32, #tpu.memory_space<vmem>>)
      tpu.yield
    }) : () -> ()
    "tpu.region"() ({
      %run_scoped3A = tpu.sem_alloc : memref<!tpu.dma_semaphore, #tpu.memory_space<semaphore_mem>>
      %dma_start3A = arith.constant 0 : i32
      %dma_start3A_29 = arith.constant 0 : i32
      %dma_start3A_30 = tpu.memref_slice %arg7[%dma_start3A, %dma_start3A_29] : memref<2x5120xi32, #tpu.memory_space<vmem>> -> memref<2x1280xi32, #tpu.memory_space<vmem>>
      %dma_start3A_31 = arith.constant 0 : i32
      %dma_start3A_32 = tpu.memref_slice %arg3[%dma_start3A_31, %mul3A_2] : memref<2x160000xi32, #tpu.memory_space<hbm>> -> memref<2x1280xi32, #tpu.memory_space<hbm>>
      %dma_start3A_33 = arith.constant 0 : i32
      %dma_start3A_34 = arith.constant 0 : i32
      %dma_start3A_35 = tpu.memref_slice %arg7[%dma_start3A_33, %dma_start3A_34] : memref<2x5120xi32, #tpu.memory_space<vmem>> -> memref<2x1280xi32, #tpu.memory_space<vmem>>
      %dma_start3A_36 = arith.constant 0 : i32
      %dma_start3A_37 = tpu.memref_slice %arg3[%dma_start3A_36, %mul3A_2] : memref<2x160000xi32, #tpu.memory_space<hbm>> -> memref<2x1280xi32, #tpu.memory_space<hbm>>
      tpu.enqueue_dma source(%dma_start3A_37 : memref<2x1280xi32, #tpu.memory_space<hbm>>) target(%dma_start3A_35 : memref<2x1280xi32, #tpu.memory_space<vmem>>) target_semaphore(%run_scoped3A : memref<!tpu.dma_semaphore, #tpu.memory_space<semaphore_mem>>)
      %dma_wait3A = arith.constant 0 : i32
      %dma_wait3A_38 = arith.constant 0 : i32
      %dma_wait3A_39 = tpu.memref_slice %arg7[%dma_wait3A, %dma_wait3A_38] : memref<2x5120xi32, #tpu.memory_space<vmem>> -> memref<2x1280xi32, #tpu.memory_space<vmem>>
      %dma_wait3A_40 = arith.constant 0 : i32
      %dma_wait3A_41 = tpu.memref_slice %arg3[%dma_wait3A_40, %mul3A_2] : memref<2x160000xi32, #tpu.memory_space<hbm>> -> memref<2x1280xi32, #tpu.memory_space<hbm>>
      %dma_wait3A_42 = arith.constant 0 : i32
      %dma_wait3A_43 = arith.constant 0 : i32
      %dma_wait3A_44 = tpu.memref_slice %arg7[%dma_wait3A_42, %dma_wait3A_43] : memref<2x5120xi32, #tpu.memory_space<vmem>> -> memref<2x1280xi32, #tpu.memory_space<vmem>>
      %dma_wait3A_45 = arith.constant 0 : i32
      %dma_wait3A_46 = tpu.memref_slice %arg3[%dma_wait3A_45, %mul3A_2] : memref<2x160000xi32, #tpu.memory_space<hbm>> -> memref<2x1280xi32, #tpu.memory_space<hbm>>
      tpu.wait_dma2 semaphore(%run_scoped3A : memref<!tpu.dma_semaphore, #tpu.memory_space<semaphore_mem>>) src(%dma_wait3A_46 : memref<2x1280xi32, #tpu.memory_space<hbm>>) dst(%dma_wait3A_44 : memref<2x1280xi32, #tpu.memory_space<vmem>>)
      tpu.yield
    }) : () -> ()
    %lt3A = arith.constant 31 : i32
    %lt3A_3 = arith.cmpi slt, %add3A, %lt3A : i32
    %add3A_4 = arith.constant 1280 : i32
    %add3A_5 = arith.addi %mul3A_2, %add3A_4 : i32
    %jit3A = arith.constant 0 : i32
    %select_n3A = arith.select %lt3A_3, %add3A_5, %jit3A : i32
    "tpu.region"() ({
      %run_scoped3A = tpu.sem_alloc : memref<!tpu.dma_semaphore, #tpu.memory_space<semaphore_mem>>
      %dma_start3A = arith.constant 0 : i32
      %dma_start3A_29 = arith.constant 1280 : i32
      %dma_start3A_30 = tpu.memref_slice %arg7[%dma_start3A, %dma_start3A_29] : memref<2x5120xi32, #tpu.memory_space<vmem>> -> memref<2x3840xi32, #tpu.memory_space<vmem>>
      %dma_start3A_31 = arith.constant 0 : i32
      %dma_start3A_32 = tpu.memref_slice %arg3[%dma_start3A_31, %select_n3A] : memref<2x160000xi32, #tpu.memory_space<hbm>> -> memref<2x3840xi32, #tpu.memory_space<hbm>>
      %dma_start3A_33 = arith.constant 0 : i32
      %dma_start3A_34 = arith.constant 1280 : i32
      %dma_start3A_35 = tpu.memref_slice %arg7[%dma_start3A_33, %dma_start3A_34] : memref<2x5120xi32, #tpu.memory_space<vmem>> -> memref<2x3840xi32, #tpu.memory_space<vmem>>
      %dma_start3A_36 = arith.constant 0 : i32
      %dma_start3A_37 = tpu.memref_slice %arg3[%dma_start3A_36, %select_n3A] : memref<2x160000xi32, #tpu.memory_space<hbm>> -> memref<2x3840xi32, #tpu.memory_space<hbm>>
      tpu.enqueue_dma source(%dma_start3A_37 : memref<2x3840xi32, #tpu.memory_space<hbm>>) target(%dma_start3A_35 : memref<2x3840xi32, #tpu.memory_space<vmem>>) target_semaphore(%run_scoped3A : memref<!tpu.dma_semaphore, #tpu.memory_space<semaphore_mem>>)
      %dma_wait3A = arith.constant 0 : i32
      %dma_wait3A_38 = arith.constant 1280 : i32
      %dma_wait3A_39 = tpu.memref_slice %arg7[%dma_wait3A, %dma_wait3A_38] : memref<2x5120xi32, #tpu.memory_space<vmem>> -> memref<2x3840xi32, #tpu.memory_space<vmem>>
      %dma_wait3A_40 = arith.constant 0 : i32
      %dma_wait3A_41 = tpu.memref_slice %arg3[%dma_wait3A_40, %select_n3A] : memref<2x160000xi32, #tpu.memory_space<hbm>> -> memref<2x3840xi32, #tpu.memory_space<hbm>>
      %dma_wait3A_42 = arith.constant 0 : i32
      %dma_wait3A_43 = arith.constant 1280 : i32
      %dma_wait3A_44 = tpu.memref_slice %arg7[%dma_wait3A_42, %dma_wait3A_43] : memref<2x5120xi32, #tpu.memory_space<vmem>> -> memref<2x3840xi32, #tpu.memory_space<vmem>>
      %dma_wait3A_45 = arith.constant 0 : i32
      %dma_wait3A_46 = tpu.memref_slice %arg3[%dma_wait3A_45, %select_n3A] : memref<2x160000xi32, #tpu.memory_space<hbm>> -> memref<2x3840xi32, #tpu.memory_space<hbm>>
      tpu.wait_dma2 semaphore(%run_scoped3A : memref<!tpu.dma_semaphore, #tpu.memory_space<semaphore_mem>>) src(%dma_wait3A_46 : memref<2x3840xi32, #tpu.memory_space<hbm>>) dst(%dma_wait3A_44 : memref<2x3840xi32, #tpu.memory_space<vmem>>)
      tpu.yield
    }) : () -> ()
    "tpu.region"() ({
      %run_scoped3A = tpu.sem_alloc : memref<!tpu.dma_semaphore, #tpu.memory_space<semaphore_mem>>
      tpu.enqueue_dma source(%arg4 : memref<4x16xf32, #tpu.memory_space<hbm>>) target(%arg9 : memref<4x16xf32, #tpu.memory_space<vmem>>) target_semaphore(%run_scoped3A : memref<!tpu.dma_semaphore, #tpu.memory_space<semaphore_mem>>)
      tpu.wait_dma2 semaphore(%run_scoped3A : memref<!tpu.dma_semaphore, #tpu.memory_space<semaphore_mem>>) src(%arg4 : memref<4x16xf32, #tpu.memory_space<hbm>>) dst(%arg9 : memref<4x16xf32, #tpu.memory_space<vmem>>)
      tpu.yield
    }) : () -> ()
    %get3A = arith.constant 0 : i32
    %get3A_6 = arith.index_cast %get3A : i32 to index
    %get3A_7 = arith.constant 0 : index
    %get3A_8 = tpu.vector_load %arg9[%get3A_6, %get3A_7] {strides = array<i32>} : memref<4x16xf32, #tpu.memory_space<vmem>>, vector<16xf32>,
    %get3A_9 = arith.constant 1 : i32
    %get3A_10 = arith.index_cast %get3A_9 : i32 to index
    %get3A_11 = arith.constant 0 : index
    %get3A_12 = tpu.vector_load %arg9[%get3A_10, %get3A_11] {strides = array<i32>} : memref<4x16xf32, #tpu.memory_space<vmem>>, vector<16xf32>,
    %get3A_13 = arith.constant 2 : i32
    %get3A_14 = arith.index_cast %get3A_13 : i32 to index
    %get3A_15 = arith.constant 0 : index
    %get3A_16 = tpu.vector_load %arg9[%get3A_14, %get3A_15] {strides = array<i32>} : memref<4x16xf32, #tpu.memory_space<vmem>>, vector<16xf32>,
    %get3A_17 = arith.constant 3 : i32
    %get3A_18 = arith.index_cast %get3A_17 : i32 to index
    %get3A_19 = arith.constant 0 : index
    %get3A_20 = tpu.vector_load %arg9[%get3A_18, %get3A_19] {strides = array<i32>} : memref<4x16xf32, #tpu.memory_space<vmem>>, vector<16xf32>,
    %parallel_loop3A = arith.constant 0 : i32
    %parallel_loop3A_21 = arith.constant 320 : i32
    %parallel_loop3A_22 = arith.constant 1 : i32
    %parallel_loop3A_23 = arith.constant -65536 : i32
    scf.for %parallel_loop3A_29 = %parallel_loop3A to %parallel_loop3A_21 step %parallel_loop3A_22  : i32 {
      %parallel_loop3A_30 = arith.constant 16 : i32
      %parallel_loop3A_31 = arith.muli %parallel_loop3A_29, %parallel_loop3A_30 : i32
      %parallel_loop3A_32 = arith.constant 0 : i32
      %parallel_loop3A_33 = arith.index_cast %parallel_loop3A_32 : i32 to index
      %parallel_loop3A_34 = arith.index_cast %parallel_loop3A_31 : i32 to index
      %parallel_loop3A_35 = tpu.vector_load %arg7[%parallel_loop3A_33, %parallel_loop3A_34] {strides = array<i32>} : memref<2x5120xi32, #tpu.memory_space<vmem>>, vector<16xi32>,
      %parallel_loop3A_36 = arith.constant 16 : i32
      %parallel_loop3A_37 = arith.muli %parallel_loop3A_29, %parallel_loop3A_36 : i32
      %parallel_loop3A_38 = arith.constant 1 : i32
      %parallel_loop3A_39 = arith.index_cast %parallel_loop3A_38 : i32 to index
      %parallel_loop3A_40 = arith.index_cast %parallel_loop3A_37 : i32 to index
      %parallel_loop3A_41 = tpu.vector_load %arg7[%parallel_loop3A_39, %parallel_loop3A_40] {strides = array<i32>} : memref<2x5120xi32, #tpu.memory_space<vmem>>, vector<16xi32>,
      %parallel_loop3A_42 = arith.constant 0 : i32
      %parallel_loop3A_43 = vector.broadcast %parallel_loop3A_42 : i32 to vector<16xi32>
      %parallel_loop3A_44 = tpu.vector_load_idx %arg6[%parallel_loop3A_43, %parallel_loop3A_41] : memref<4x10000xi32, #tpu.memory_space<vmem>>[vector<16xi32>, vector<16xi32>], vector<16xi32>,
      %parallel_loop3A_45 = arith.constant 1 : i32
      %parallel_loop3A_46 = vector.broadcast %parallel_loop3A_45 : i32 to vector<16xi32>
      %parallel_loop3A_47 = tpu.vector_load_idx %arg6[%parallel_loop3A_46, %parallel_loop3A_41] : memref<4x10000xi32, #tpu.memory_space<vmem>>[vector<16xi32>, vector<16xi32>], vector<16xi32>,
      %parallel_loop3A_48 = arith.constant 2 : i32
      %parallel_loop3A_49 = vector.broadcast %parallel_loop3A_48 : i32 to vector<16xi32>
      %parallel_loop3A_50 = tpu.vector_load_idx %arg6[%parallel_loop3A_49, %parallel_loop3A_35] : memref<4x10000xi32, #tpu.memory_space<vmem>>[vector<16xi32>, vector<16xi32>], vector<16xi32>,
      %parallel_loop3A_51 = arith.constant 3 : i32
      %parallel_loop3A_52 = vector.broadcast %parallel_loop3A_51 : i32 to vector<16xi32>
      %parallel_loop3A_53 = tpu.vector_load_idx %arg6[%parallel_loop3A_52, %parallel_loop3A_35] : memref<4x10000xi32, #tpu.memory_space<vmem>>[vector<16xi32>, vector<16xi32>], vector<16xi32>,
      %parallel_loop3A_54 = arith.constant 16 : i32
      %parallel_loop3A_55 = vector.broadcast %parallel_loop3A_54 : i32 to vector<16xi32>
      %parallel_loop3A_56 = arith.shli %parallel_loop3A_44, %parallel_loop3A_55 : vector<16xi32>
      %parallel_loop3A_57 = vector.bitcast %parallel_loop3A_56 : vector<16xi32> to vector<16xf32>
      %parallel_loop3A_58 = arith.constant 16 : i32
      %parallel_loop3A_59 = vector.broadcast %parallel_loop3A_58 : i32 to vector<16xi32>
      %parallel_loop3A_60 = arith.shli %parallel_loop3A_50, %parallel_loop3A_59 : vector<16xi32>
      %parallel_loop3A_61 = vector.bitcast %parallel_loop3A_60 : vector<16xi32> to vector<16xf32>
      %parallel_loop3A_62 = arith.addf %parallel_loop3A_57, %parallel_loop3A_61 : vector<16xf32>
      %parallel_loop3A_63 = arith.addf %parallel_loop3A_62, %get3A_8 : vector<16xf32>
      %parallel_loop3A_64 = vector.broadcast %parallel_loop3A_23 : i32 to vector<16xi32>
      %parallel_loop3A_65 = arith.andi %parallel_loop3A_44, %parallel_loop3A_64 : vector<16xi32>
      %parallel_loop3A_66 = vector.bitcast %parallel_loop3A_65 : vector<16xi32> to vector<16xf32>
      %parallel_loop3A_67 = vector.broadcast %parallel_loop3A_23 : i32 to vector<16xi32>
      %parallel_loop3A_68 = arith.andi %parallel_loop3A_50, %parallel_loop3A_67 : vector<16xi32>
      %parallel_loop3A_69 = vector.bitcast %parallel_loop3A_68 : vector<16xi32> to vector<16xf32>
      %parallel_loop3A_70 = arith.addf %parallel_loop3A_66, %parallel_loop3A_69 : vector<16xf32>
      %parallel_loop3A_71 = arith.addf %parallel_loop3A_70, %get3A_12 : vector<16xf32>
      %parallel_loop3A_72 = arith.constant 16 : i32
      %parallel_loop3A_73 = vector.broadcast %parallel_loop3A_72 : i32 to vector<16xi32>
      %parallel_loop3A_74 = arith.shli %parallel_loop3A_47, %parallel_loop3A_73 : vector<16xi32>
      %parallel_loop3A_75 = vector.bitcast %parallel_loop3A_74 : vector<16xi32> to vector<16xf32>
      %parallel_loop3A_76 = arith.constant 16 : i32
      %parallel_loop3A_77 = vector.broadcast %parallel_loop3A_76 : i32 to vector<16xi32>
      %parallel_loop3A_78 = arith.shli %parallel_loop3A_53, %parallel_loop3A_77 : vector<16xi32>
      %parallel_loop3A_79 = vector.bitcast %parallel_loop3A_78 : vector<16xi32> to vector<16xf32>
      %parallel_loop3A_80 = arith.addf %parallel_loop3A_75, %parallel_loop3A_79 : vector<16xf32>
      %parallel_loop3A_81 = arith.addf %parallel_loop3A_80, %get3A_16 : vector<16xf32>
      %parallel_loop3A_82 = vector.broadcast %parallel_loop3A_23 : i32 to vector<16xi32>
      %parallel_loop3A_83 = arith.andi %parallel_loop3A_47, %parallel_loop3A_82 : vector<16xi32>
      %parallel_loop3A_84 = vector.bitcast %parallel_loop3A_83 : vector<16xi32> to vector<16xf32>
      %parallel_loop3A_85 = vector.broadcast %parallel_loop3A_23 : i32 to vector<16xi32>
      %parallel_loop3A_86 = arith.andi %parallel_loop3A_53, %parallel_loop3A_85 : vector<16xi32>
      %parallel_loop3A_87 = vector.bitcast %parallel_loop3A_86 : vector<16xi32> to vector<16xf32>
      %parallel_loop3A_88 = arith.addf %parallel_loop3A_84, %parallel_loop3A_87 : vector<16xf32>
      %parallel_loop3A_89 = arith.addf %parallel_loop3A_88, %get3A_20 : vector<16xf32>
      %parallel_loop3A_90 = arith.constant 8 : i32
      %parallel_loop3A_91 = arith.divsi %parallel_loop3A_29, %parallel_loop3A_90 : i32
      %parallel_loop3A_92 = arith.constant 0 : i32
      %parallel_loop3A_93 = arith.cmpi sgt, %parallel_loop3A_29, %parallel_loop3A_92 : i32
      %parallel_loop3A_94 = arith.extui %parallel_loop3A_93 : i1 to i32
      %parallel_loop3A_95 = arith.constant 0 : i32
      %parallel_loop3A_96 = arith.cmpi slt, %parallel_loop3A_29, %parallel_loop3A_95 : i32
      %parallel_loop3A_97 = arith.extui %parallel_loop3A_96 : i1 to i32
      %parallel_loop3A_98 = arith.subi %parallel_loop3A_94, %parallel_loop3A_97 : i32
      %parallel_loop3A_99 = arith.constant 0 : i32
      %parallel_loop3A_100 = arith.cmpi sgt, %parallel_loop3A_90, %parallel_loop3A_99 : i32
      %parallel_loop3A_101 = arith.extui %parallel_loop3A_100 : i1 to i32
      %parallel_loop3A_102 = arith.constant 0 : i32
      %parallel_loop3A_103 = arith.cmpi slt, %parallel_loop3A_90, %parallel_loop3A_102 : i32
      %parallel_loop3A_104 = arith.extui %parallel_loop3A_103 : i1 to i32
      %parallel_loop3A_105 = arith.subi %parallel_loop3A_101, %parallel_loop3A_104 : i32
      %parallel_loop3A_106 = arith.cmpi ne, %parallel_loop3A_98, %parallel_loop3A_105 : i32
      %parallel_loop3A_107 = arith.remsi %parallel_loop3A_29, %parallel_loop3A_90 : i32
      %parallel_loop3A_108 = arith.constant 0 : i32
      %parallel_loop3A_109 = arith.cmpi ne, %parallel_loop3A_107, %parallel_loop3A_108 : i32
      %parallel_loop3A_110 = arith.andi %parallel_loop3A_106, %parallel_loop3A_109 : i1
      %parallel_loop3A_111 = arith.constant 1 : i32
      %parallel_loop3A_112 = arith.subi %parallel_loop3A_91, %parallel_loop3A_111 : i32
      %parallel_loop3A_113 = arith.select %parallel_loop3A_110, %parallel_loop3A_112, %parallel_loop3A_91 : i32
      %parallel_loop3A_114 = arith.constant 512 : i32
      %parallel_loop3A_115 = arith.muli %parallel_loop3A_113, %parallel_loop3A_114 : i32
      %parallel_loop3A_116 = arith.constant 8 : i32
      %parallel_loop3A_117 = arith.constant 0 : i32
      %parallel_loop3A_118 = arith.cmpi eq, %parallel_loop3A_116, %parallel_loop3A_117 : i32
      %parallel_loop3A_119 = arith.constant 1 : i32
      %parallel_loop3A_120 = arith.select %parallel_loop3A_118, %parallel_loop3A_119, %parallel_loop3A_116 : i32
      %parallel_loop3A_121 = arith.remsi %parallel_loop3A_29, %parallel_loop3A_120 : i32
      %parallel_loop3A_122 = arith.constant 0 : i32
      %parallel_loop3A_123 = arith.cmpi ne, %parallel_loop3A_121, %parallel_loop3A_122 : i32
      %parallel_loop3A_124 = arith.constant 0 : i32
      %parallel_loop3A_125 = arith.cmpi slt, %parallel_loop3A_121, %parallel_loop3A_124 : i32
      %parallel_loop3A_126 = arith.constant 0 : i32
      %parallel_loop3A_127 = arith.cmpi slt, %parallel_loop3A_120, %parallel_loop3A_126 : i32
      %parallel_loop3A_128 = arith.xori %parallel_loop3A_125, %parallel_loop3A_127 : i1
      %parallel_loop3A_129 = arith.andi %parallel_loop3A_128, %parallel_loop3A_123 : i1
      %parallel_loop3A_130 = arith.addi %parallel_loop3A_121, %parallel_loop3A_120 : i32
      %parallel_loop3A_131 = arith.select %parallel_loop3A_129, %parallel_loop3A_130, %parallel_loop3A_121 : i32
      %parallel_loop3A_132 = arith.constant 16 : i32
      %parallel_loop3A_133 = arith.muli %parallel_loop3A_131, %parallel_loop3A_132 : i32
      %parallel_loop3A_134 = arith.addi %parallel_loop3A_115, %parallel_loop3A_133 : i32
      %parallel_loop3A_135 = arith.constant 0.000000e+00 : f32
      %parallel_loop3A_136 = vector.broadcast %parallel_loop3A_135 : f32 to vector<16xf32>
      %parallel_loop3A_137 = arith.subf %parallel_loop3A_136, %parallel_loop3A_63 : vector<16xf32>
      %parallel_loop3A_138 = math.exp %parallel_loop3A_137 : vector<16xf32>
      %parallel_loop3A_139 = arith.constant 1.000000e+00 : f32
      %parallel_loop3A_140 = vector.broadcast %parallel_loop3A_139 : f32 to vector<16xf32>
      %parallel_loop3A_141 = arith.addf %parallel_loop3A_140, %parallel_loop3A_138 : vector<16xf32>
      %parallel_loop3A_142 = arith.constant 1.000000e+00 : f32
      %parallel_loop3A_143 = vector.broadcast %parallel_loop3A_142 : f32 to vector<16xf32>
      %parallel_loop3A_144 = arith.divf %parallel_loop3A_143, %parallel_loop3A_141 : vector<16xf32>
      %parallel_loop3A_145 = arith.constant 0 : i32
      %parallel_loop3A_146 = arith.addi %parallel_loop3A_134, %parallel_loop3A_145 : i32
      %parallel_loop3A_147 = arith.index_cast %parallel_loop3A_146 : i32 to index
      %parallel_loop3A_148 = tpu.vector_load %arg8[%parallel_loop3A_147] {strides = array<i32>} : memref<20480xf32, #tpu.memory_space<vmem>>, vector<16xf32>,
      tpu.vector_store %arg8[%parallel_loop3A_147], %parallel_loop3A_144 {strides = array<i32>} : memref<20480xf32, #tpu.memory_space<vmem>>, vector<16xf32>,
      %parallel_loop3A_149 = arith.constant 0.000000e+00 : f32
      %parallel_loop3A_150 = vector.broadcast %parallel_loop3A_149 : f32 to vector<16xf32>
      %parallel_loop3A_151 = arith.subf %parallel_loop3A_150, %parallel_loop3A_71 : vector<16xf32>
      %parallel_loop3A_152 = math.exp %parallel_loop3A_151 : vector<16xf32>
      %parallel_loop3A_153 = arith.constant 1.000000e+00 : f32
      %parallel_loop3A_154 = vector.broadcast %parallel_loop3A_153 : f32 to vector<16xf32>
      %parallel_loop3A_155 = arith.addf %parallel_loop3A_154, %parallel_loop3A_152 : vector<16xf32>
      %parallel_loop3A_156 = arith.constant 1.000000e+00 : f32
      %parallel_loop3A_157 = vector.broadcast %parallel_loop3A_156 : f32 to vector<16xf32>
      %parallel_loop3A_158 = arith.divf %parallel_loop3A_157, %parallel_loop3A_155 : vector<16xf32>
      %parallel_loop3A_159 = arith.constant 128 : i32
      %parallel_loop3A_160 = arith.addi %parallel_loop3A_134, %parallel_loop3A_159 : i32
      %parallel_loop3A_161 = arith.index_cast %parallel_loop3A_160 : i32 to index
      %parallel_loop3A_162 = tpu.vector_load %arg8[%parallel_loop3A_161] {strides = array<i32>} : memref<20480xf32, #tpu.memory_space<vmem>>, vector<16xf32>,
      tpu.vector_store %arg8[%parallel_loop3A_161], %parallel_loop3A_158 {strides = array<i32>} : memref<20480xf32, #tpu.memory_space<vmem>>, vector<16xf32>,
      %parallel_loop3A_163 = arith.constant 0.000000e+00 : f32
      %parallel_loop3A_164 = vector.broadcast %parallel_loop3A_163 : f32 to vector<16xf32>
      %parallel_loop3A_165 = arith.subf %parallel_loop3A_164, %parallel_loop3A_81 : vector<16xf32>
      %parallel_loop3A_166 = math.exp %parallel_loop3A_165 : vector<16xf32>
      %parallel_loop3A_167 = arith.constant 1.000000e+00 : f32
      %parallel_loop3A_168 = vector.broadcast %parallel_loop3A_167 : f32 to vector<16xf32>
      %parallel_loop3A_169 = arith.addf %parallel_loop3A_168, %parallel_loop3A_166 : vector<16xf32>
      %parallel_loop3A_170 = arith.constant 1.000000e+00 : f32
      %parallel_loop3A_171 = vector.broadcast %parallel_loop3A_170 : f32 to vector<16xf32>
      %parallel_loop3A_172 = arith.divf %parallel_loop3A_171, %parallel_loop3A_169 : vector<16xf32>
      %parallel_loop3A_173 = arith.constant 256 : i32
      %parallel_loop3A_174 = arith.addi %parallel_loop3A_134, %parallel_loop3A_173 : i32
      %parallel_loop3A_175 = arith.index_cast %parallel_loop3A_174 : i32 to index
      %parallel_loop3A_176 = tpu.vector_load %arg8[%parallel_loop3A_175] {strides = array<i32>} : memref<20480xf32, #tpu.memory_space<vmem>>, vector<16xf32>,
      tpu.vector_store %arg8[%parallel_loop3A_175], %parallel_loop3A_172 {strides = array<i32>} : memref<20480xf32, #tpu.memory_space<vmem>>, vector<16xf32>,
      %parallel_loop3A_177 = arith.constant 0.000000e+00 : f32
      %parallel_loop3A_178 = vector.broadcast %parallel_loop3A_177 : f32 to vector<16xf32>
      %parallel_loop3A_179 = arith.subf %parallel_loop3A_178, %parallel_loop3A_89 : vector<16xf32>
      %parallel_loop3A_180 = math.exp %parallel_loop3A_179 : vector<16xf32>
      %parallel_loop3A_181 = arith.constant 1.000000e+00 : f32
      %parallel_loop3A_182 = vector.broadcast %parallel_loop3A_181 : f32 to vector<16xf32>
      %parallel_loop3A_183 = arith.addf %parallel_loop3A_182, %parallel_loop3A_180 : vector<16xf32>
      %parallel_loop3A_184 = arith.constant 1.000000e+00 : f32
      %parallel_loop3A_185 = vector.broadcast %parallel_loop3A_184 : f32 to vector<16xf32>
      %parallel_loop3A_186 = arith.divf %parallel_loop3A_185, %parallel_loop3A_183 : vector<16xf32>
      %parallel_loop3A_187 = arith.constant 384 : i32
      %parallel_loop3A_188 = arith.addi %parallel_loop3A_134, %parallel_loop3A_187 : i32
      %parallel_loop3A_189 = arith.index_cast %parallel_loop3A_188 : i32 to index
      %parallel_loop3A_190 = tpu.vector_load %arg8[%parallel_loop3A_189] {strides = array<i32>} : memref<20480xf32, #tpu.memory_space<vmem>>, vector<16xf32>,
      tpu.vector_store %arg8[%parallel_loop3A_189], %parallel_loop3A_186 {strides = array<i32>} : memref<20480xf32, #tpu.memory_space<vmem>>, vector<16xf32>,
    } {sc.loop_unroll_factor = 8 : i64, sc.parallel_access}
    %mul3A_24 = arith.constant 4 : i32
    %mul3A_25 = arith.muli %mul3A_2, %mul3A_24 : i32
    "tpu.region"() ({
      %run_scoped3A = tpu.sem_alloc : memref<!tpu.dma_semaphore, #tpu.memory_space<semaphore_mem>>
      %dma_start3A = arith.constant 0 : i32
      %dma_start3A_29 = tpu.memref_slice %arg8[%dma_start3A] : memref<20480xf32, #tpu.memory_space<vmem>> -> memref<5120xf32, #tpu.memory_space<vmem>>
      %dma_start3A_30 = tpu.memref_slice %arg5[%mul3A_25] : memref<640000xf32, #tpu.memory_space<hbm>> -> memref<5120xf32, #tpu.memory_space<hbm>>
      %dma_start3A_31 = tpu.memref_slice %arg5[%mul3A_25] : memref<640000xf32, #tpu.memory_space<hbm>> -> memref<5120xf32, #tpu.memory_space<hbm>>
      %dma_start3A_32 = arith.constant 0 : i32
      %dma_start3A_33 = tpu.memref_slice %arg8[%dma_start3A_32] : memref<20480xf32, #tpu.memory_space<vmem>> -> memref<5120xf32, #tpu.memory_space<vmem>>
      tpu.enqueue_dma source(%dma_start3A_33 : memref<5120xf32, #tpu.memory_space<vmem>>) target(%dma_start3A_31 : memref<5120xf32, #tpu.memory_space<hbm>>) target_semaphore(%run_scoped3A : memref<!tpu.dma_semaphore, #tpu.memory_space<semaphore_mem>>)
      %dma_wait3A = arith.constant 0 : i32
      %dma_wait3A_34 = tpu.memref_slice %arg8[%dma_wait3A] : memref<20480xf32, #tpu.memory_space<vmem>> -> memref<5120xf32, #tpu.memory_space<vmem>>
      %dma_wait3A_35 = tpu.memref_slice %arg5[%mul3A_25] : memref<640000xf32, #tpu.memory_space<hbm>> -> memref<5120xf32, #tpu.memory_space<hbm>>
      %dma_wait3A_36 = tpu.memref_slice %arg5[%mul3A_25] : memref<640000xf32, #tpu.memory_space<hbm>> -> memref<5120xf32, #tpu.memory_space<hbm>>
      %dma_wait3A_37 = arith.constant 0 : i32
      %dma_wait3A_38 = tpu.memref_slice %arg8[%dma_wait3A_37] : memref<20480xf32, #tpu.memory_space<vmem>> -> memref<5120xf32, #tpu.memory_space<vmem>>
      tpu.wait_dma2 semaphore(%run_scoped3A : memref<!tpu.dma_semaphore, #tpu.memory_space<semaphore_mem>>) src(%dma_wait3A_38 : memref<5120xf32, #tpu.memory_space<vmem>>) dst(%dma_wait3A_36 : memref<5120xf32, #tpu.memory_space<hbm>>)
      tpu.yield
    }) : () -> ()
    %lt3A_26 = arith.constant 31 : i32
    %lt3A_27 = arith.cmpi slt, %add3A, %lt3A_26 : i32
    %convert_element_type3A = arith.extui %lt3A_27 : i1 to i32
    %cond3A = arith.constant 0 : i32
    %cond3A_28 = arith.cmpi ne, %convert_element_type3A, %cond3A : i32
    scf.if %cond3A_28 {
      %mul3A_29 = arith.constant 4 : i32
      %mul3A_30 = arith.muli %mul3A_2, %mul3A_29 : i32
      %add3A_31 = arith.constant 5120 : i32
      %add3A_32 = arith.addi %mul3A_30, %add3A_31 : i32
      "tpu.region"() ({
        %run_scoped3A = tpu.sem_alloc : memref<!tpu.dma_semaphore, #tpu.memory_space<semaphore_mem>>
        %dma_start3A = arith.constant 5120 : i32
        %dma_start3A_33 = tpu.memref_slice %arg8[%dma_start3A] : memref<20480xf32, #tpu.memory_space<vmem>> -> memref<15360xf32, #tpu.memory_space<vmem>>
        %dma_start3A_34 = tpu.memref_slice %arg5[%add3A_32] : memref<640000xf32, #tpu.memory_space<hbm>> -> memref<15360xf32, #tpu.memory_space<hbm>>
        %dma_start3A_35 = tpu.memref_slice %arg5[%add3A_32] : memref<640000xf32, #tpu.memory_space<hbm>> -> memref<15360xf32, #tpu.memory_space<hbm>>
        %dma_start3A_36 = arith.constant 5120 : i32
        %dma_start3A_37 = tpu.memref_slice %arg8[%dma_start3A_36] : memref<20480xf32, #tpu.memory_space<vmem>> -> memref<15360xf32, #tpu.memory_space<vmem>>
        tpu.enqueue_dma source(%dma_start3A_37 : memref<15360xf32, #tpu.memory_space<vmem>>) target(%dma_start3A_35 : memref<15360xf32, #tpu.memory_space<hbm>>) target_semaphore(%run_scoped3A : memref<!tpu.dma_semaphore, #tpu.memory_space<semaphore_mem>>)
        %dma_wait3A = arith.constant 5120 : i32
        %dma_wait3A_38 = tpu.memref_slice %arg8[%dma_wait3A] : memref<20480xf32, #tpu.memory_space<vmem>> -> memref<15360xf32, #tpu.memory_space<vmem>>
        %dma_wait3A_39 = tpu.memref_slice %arg5[%add3A_32] : memref<640000xf32, #tpu.memory_space<hbm>> -> memref<15360xf32, #tpu.memory_space<hbm>>
        %dma_wait3A_40 = tpu.memref_slice %arg5[%add3A_32] : memref<640000xf32, #tpu.memory_space<hbm>> -> memref<15360xf32, #tpu.memory_space<hbm>>
        %dma_wait3A_41 = arith.constant 5120 : i32
        %dma_wait3A_42 = tpu.memref_slice %arg8[%dma_wait3A_41] : memref<20480xf32, #tpu.memory_space<vmem>> -> memref<15360xf32, #tpu.memory_space<vmem>>
        tpu.wait_dma2 semaphore(%run_scoped3A : memref<!tpu.dma_semaphore, #tpu.memory_space<semaphore_mem>>) src(%dma_wait3A_42 : memref<15360xf32, #tpu.memory_space<vmem>>) dst(%dma_wait3A_40 : memref<15360xf32, #tpu.memory_space<hbm>>)
        tpu.yield
      }) : () -> ()
    } else {
    }
    return
  }
}

module attributes {stable_mosaic.version = 14 : i64} {
  func.func @_tc_pt_body(%arg0: i32, %arg1: memref<2048x256xf32, #tpu.memory_space<vmem>>, %arg2: memref<256x256xf32, #tpu.memory_space<vmem>>, %arg3: memref<1x256xf32, #tpu.memory_space<vmem>>, %arg4: memref<4x512xf32, #tpu.memory_space<vmem>>, %arg5: memref<4x2048xi32, #tpu.memory_space<vmem>>) attributes {dimension_semantics = [#tpu.dimension_semantics<arbitrary>], iteration_bounds = array<i64: 5>, scalar_prefetch = 0 : i64, scratch_operands = 0 : i64, tpu.core_type = #tpu.core_type<tc>, window_params = [{transform_indices = @transform_0, window_bounds = array<i64: 2048, 256>}, {pipeline_mode = #tpu.pipeline_mode<synchronous>, transform_indices = @transform_1, window_bounds = array<i64: 256, 256>}, {pipeline_mode = #tpu.pipeline_mode<synchronous>, transform_indices = @transform_2, window_bounds = array<i64: 1, 256>}, {pipeline_mode = #tpu.pipeline_mode<synchronous>, transform_indices = @transform_3, window_bounds = array<i64: 4, 512>}, {transform_indices = @transform_4, window_bounds = array<i64: 4, 2048>}]} {
    %get3A = arith.constant 0 : index
    %get3A_0 = arith.constant 0 : index
    %get3A_1 = vector.load %arg4[%get3A, %get3A_0] : memref<4x512xf32, #tpu.memory_space<vmem>>, vector<4x512xf32>
    %slice3A = vector.extract_strided_slice %get3A_1 {offsets = [0, 0], sizes = [1, 256], strides = [1, 1]} : vector<4x512xf32> to vector<1x256xf32>
    %slice3A_2 = vector.extract_strided_slice %get3A_1 {offsets = [2, 0], sizes = [1, 256], strides = [1, 1]} : vector<4x512xf32> to vector<1x256xf32>
    %slice3A_3 = vector.extract_strided_slice %get3A_1 {offsets = [0, 256], sizes = [1, 256], strides = [1, 1]} : vector<4x512xf32> to vector<1x256xf32>
    %slice3A_4 = vector.extract_strided_slice %get3A_1 {offsets = [2, 256], sizes = [1, 256], strides = [1, 1]} : vector<4x512xf32> to vector<1x256xf32>
    %concatenate3A = tpu.concatenate %slice3A, %slice3A_2, %slice3A_3, %slice3A_4 in 0 : vector<1x256xf32>, vector<1x256xf32>, vector<1x256xf32>, vector<1x256xf32> -> vector<4x256xf32>
    %slice3A_5 = vector.extract_strided_slice %get3A_1 {offsets = [1, 0], sizes = [1, 256], strides = [1, 1]} : vector<4x512xf32> to vector<1x256xf32>
    %slice3A_6 = vector.extract_strided_slice %get3A_1 {offsets = [3, 0], sizes = [1, 256], strides = [1, 1]} : vector<4x512xf32> to vector<1x256xf32>
    %slice3A_7 = vector.extract_strided_slice %get3A_1 {offsets = [1, 256], sizes = [1, 256], strides = [1, 1]} : vector<4x512xf32> to vector<1x256xf32>
    %slice3A_8 = vector.extract_strided_slice %get3A_1 {offsets = [3, 256], sizes = [1, 256], strides = [1, 1]} : vector<4x512xf32> to vector<1x256xf32>
    %concatenate3A_9 = tpu.concatenate %slice3A_5, %slice3A_6, %slice3A_7, %slice3A_8 in 0 : vector<1x256xf32>, vector<1x256xf32>, vector<1x256xf32>, vector<1x256xf32> -> vector<4x256xf32>
    %get3A_10 = arith.constant 0 : index
    %get3A_11 = arith.constant 0 : index
    %get3A_12 = vector.load %arg2[%get3A_10, %get3A_11] : memref<256x256xf32, #tpu.memory_space<vmem>>, vector<256x256xf32>
    %dot_general3A = arith.constant dense<0.000000e+00> : vector<4x256xf32>
    %dot_general3A_13 = tpu.matmul %concatenate3A, %get3A_12, %dot_general3A {dimension_numbers = #tpu.dot_dimension_numbers<[1], [1], [0], [0], [0, 0, 1, 0], [], []>, transpose_lhs_hint = false} : vector<4x256xf32>, vector<256x256xf32>, vector<4x256xf32> -> vector<4x256xf32>
    %get3A_14 = arith.constant 0 : index
    %get3A_15 = arith.constant 0 : index
    %get3A_16 = vector.load %arg2[%get3A_14, %get3A_15] : memref<256x256xf32, #tpu.memory_space<vmem>>, vector<256x256xf32>
    %dot_general3A_17 = arith.constant dense<0.000000e+00> : vector<4x256xf32>
    %dot_general3A_18 = tpu.matmul %concatenate3A_9, %get3A_16, %dot_general3A_17 {dimension_numbers = #tpu.dot_dimension_numbers<[1], [1], [0], [0], [0, 0, 1, 0], [], []>, transpose_lhs_hint = false} : vector<4x256xf32>, vector<256x256xf32>, vector<4x256xf32> -> vector<4x256xf32>
    %get3A_19 = arith.constant 0 : index
    %get3A_20 = arith.constant 0 : index
    %get3A_21 = vector.load %arg3[%get3A_19, %get3A_20] : memref<1x256xf32, #tpu.memory_space<vmem>>, vector<1x256xf32>
    %dot_general3A_22 = arith.constant dense<0.000000e+00> : vector<4x1xf32>
    %dot_general3A_23 = tpu.matmul %concatenate3A, %get3A_21, %dot_general3A_22 {dimension_numbers = #tpu.dot_dimension_numbers<[1], [1], [0], [0], [0, 0, 1, 0], [], []>, transpose_lhs_hint = false} : vector<4x256xf32>, vector<1x256xf32>, vector<4x1xf32> -> vector<4x1xf32>
    %get3A_24 = arith.constant 0 : index
    %get3A_25 = arith.constant 0 : index
    %get3A_26 = vector.load %arg3[%get3A_24, %get3A_25] : memref<1x256xf32, #tpu.memory_space<vmem>>, vector<1x256xf32>
    %dot_general3A_27 = arith.constant dense<0.000000e+00> : vector<4x1xf32>
    %dot_general3A_28 = tpu.matmul %concatenate3A_9, %get3A_26, %dot_general3A_27 {dimension_numbers = #tpu.dot_dimension_numbers<[1], [1], [0], [0], [0, 0, 1, 0], [], []>, transpose_lhs_hint = false} : vector<4x256xf32>, vector<1x256xf32>, vector<4x1xf32> -> vector<4x1xf32>
    %get3A_29 = arith.constant 0 : index
    %get3A_30 = arith.constant 0 : index
    %get3A_31 = vector.load %arg1[%get3A_29, %get3A_30] : memref<2048x256xf32, #tpu.memory_space<vmem>>, vector<2048x256xf32>
    %dot_general3A_32 = arith.constant dense<0.000000e+00> : vector<4x2048xf32>
    %dot_general3A_33 = tpu.matmul %dot_general3A_13, %get3A_31, %dot_general3A_32 {dimension_numbers = #tpu.dot_dimension_numbers<[1], [1], [0], [0], [0, 0, 1, 0], [], []>, transpose_lhs_hint = false} : vector<4x256xf32>, vector<2048x256xf32>, vector<4x2048xf32> -> vector<4x2048xf32>
    %add3A = vector.broadcast %dot_general3A_23 : vector<4x1xf32> to vector<4x2048xf32>
    %add3A_34 = arith.addf %dot_general3A_33, %add3A : vector<4x2048xf32>
    %get3A_35 = arith.constant 0 : index
    %get3A_36 = arith.constant 0 : index
    %get3A_37 = vector.load %arg1[%get3A_35, %get3A_36] : memref<2048x256xf32, #tpu.memory_space<vmem>>, vector<2048x256xf32>
    %dot_general3A_38 = arith.constant dense<0.000000e+00> : vector<4x2048xf32>
    %dot_general3A_39 = tpu.matmul %dot_general3A_18, %get3A_37, %dot_general3A_38 {dimension_numbers = #tpu.dot_dimension_numbers<[1], [1], [0], [0], [0, 0, 1, 0], [], []>, transpose_lhs_hint = false} : vector<4x256xf32>, vector<2048x256xf32>, vector<4x2048xf32> -> vector<4x2048xf32>
    %add3A_40 = vector.broadcast %dot_general3A_28 : vector<4x1xf32> to vector<4x2048xf32>
    %add3A_41 = arith.addf %dot_general3A_39, %add3A_40 : vector<4x2048xf32>
    %bitcast_convert_type3A = tpu.bitcast %add3A_34 : vector<4x2048xf32> -> vector<4x2048xi32>
    %bitcast_convert_type3A_42 = tpu.bitcast %add3A_41 : vector<4x2048xf32> -> vector<4x2048xi32>
    %add3A_43 = arith.constant 32767 : i32
    %add3A_44 = vector.broadcast %add3A_43 : i32 to vector<4x2048xi32>
    %add3A_45 = arith.addi %bitcast_convert_type3A_42, %add3A_44 : vector<4x2048xi32>
    %shift_right_logical3A = arith.constant 16 : i32
    %shift_right_logical3A_46 = vector.broadcast %shift_right_logical3A : i32 to vector<4x2048xi32>
    %shift_right_logical3A_47 = arith.shrui %bitcast_convert_type3A_42, %shift_right_logical3A_46 : vector<4x2048xi32>
    %and3A = arith.constant 1 : i32
    %and3A_48 = vector.broadcast %and3A : i32 to vector<4x2048xi32>
    %and3A_49 = arith.andi %shift_right_logical3A_47, %and3A_48 : vector<4x2048xi32>
    %add3A_50 = arith.addi %add3A_45, %and3A_49 : vector<4x2048xi32>
    %and3A_51 = arith.constant -65536 : i32
    %and3A_52 = vector.broadcast %and3A_51 : i32 to vector<4x2048xi32>
    %and3A_53 = arith.andi %add3A_50, %and3A_52 : vector<4x2048xi32>
    %add3A_54 = arith.constant 32767 : i32
    %add3A_55 = vector.broadcast %add3A_54 : i32 to vector<4x2048xi32>
    %add3A_56 = arith.addi %bitcast_convert_type3A, %add3A_55 : vector<4x2048xi32>
    %shift_right_logical3A_57 = arith.constant 16 : i32
    %shift_right_logical3A_58 = vector.broadcast %shift_right_logical3A_57 : i32 to vector<4x2048xi32>
    %shift_right_logical3A_59 = arith.shrui %bitcast_convert_type3A, %shift_right_logical3A_58 : vector<4x2048xi32>
    %and3A_60 = arith.constant 1 : i32
    %and3A_61 = vector.broadcast %and3A_60 : i32 to vector<4x2048xi32>
    %and3A_62 = arith.andi %shift_right_logical3A_59, %and3A_61 : vector<4x2048xi32>
    %add3A_63 = arith.addi %add3A_56, %and3A_62 : vector<4x2048xi32>
    %shift_right_logical3A_64 = arith.constant 16 : i32
    %shift_right_logical3A_65 = vector.broadcast %shift_right_logical3A_64 : i32 to vector<4x2048xi32>
    %shift_right_logical3A_66 = arith.shrui %add3A_63, %shift_right_logical3A_65 : vector<4x2048xi32>
    %or3A = arith.ori %and3A_53, %shift_right_logical3A_66 : vector<4x2048xi32>
    %bitcast_convert_type3A_67 = tpu.bitcast %or3A : vector<4x2048xi32> -> vector<4x2048xi32>
    %swap3A = arith.constant 0 : index
    %swap3A_68 = arith.constant 0 : index
    %swap3A_69 = vector.load %arg5[%swap3A, %swap3A_68] : memref<4x2048xi32, #tpu.memory_space<vmem>>, vector<4x2048xi32>
    tpu.vector_store %arg5[%swap3A, %swap3A_68], %bitcast_convert_type3A_67 {strides = array<i32>} : memref<4x2048xi32, #tpu.memory_space<vmem>>, vector<4x2048xi32>,
    return
  }
  func.func @transform_0(%arg0: i32) -> (i32, i32) {
    %c0_i32 = arith.constant 0 : i32
    %c0_i32_0 = arith.constant 0 : i32
    return %arg0, %c0_i32 : i32, i32
  }
  func.func @transform_1(%arg0: i32) -> (i32, i32) {
    %c0_i32 = arith.constant 0 : i32
    %c0_i32_0 = arith.constant 0 : i32
    %c0_i32_1 = arith.constant 0 : i32
    return %c0_i32, %c0_i32_0 : i32, i32
  }
  func.func @transform_2(%arg0: i32) -> (i32, i32) {
    %c0_i32 = arith.constant 0 : i32
    %c0_i32_0 = arith.constant 0 : i32
    %c0_i32_1 = arith.constant 0 : i32
    return %c0_i32, %c0_i32_0 : i32, i32
  }
  func.func @transform_3(%arg0: i32) -> (i32, i32) {
    %c0_i32 = arith.constant 0 : i32
    %c0_i32_0 = arith.constant 0 : i32
    %c0_i32_1 = arith.constant 0 : i32
    return %c0_i32, %c0_i32_0 : i32, i32
  }
  func.func @transform_4(%arg0: i32) -> (i32, i32) {
    %c0_i32 = arith.constant 0 : i32
    %c0_i32_0 = arith.constant 0 : i32
    return %c0_i32, %arg0 : i32, i32
  }
}

module attributes {stable_mosaic.version = 14 : i64} {
  func.func @_tc_h_body(%arg0: i32, %arg1: memref<2048x256xf32, #tpu.memory_space<vmem>>, %arg2: memref<256x256xf32, #tpu.memory_space<vmem>>, %arg3: memref<1x256xf32, #tpu.memory_space<vmem>>, %arg4: memref<2048x256xf32, #tpu.memory_space<vmem>>) attributes {dimension_semantics = [#tpu.dimension_semantics<arbitrary>], iteration_bounds = array<i64: 5>, scalar_prefetch = 0 : i64, scratch_operands = 0 : i64, tpu.core_type = #tpu.core_type<tc>, window_params = [{transform_indices = @transform_0, window_bounds = array<i64: 2048, 256>}, {pipeline_mode = #tpu.pipeline_mode<synchronous>, transform_indices = @transform_1, window_bounds = array<i64: 256, 256>}, {pipeline_mode = #tpu.pipeline_mode<synchronous>, transform_indices = @transform_2, window_bounds = array<i64: 1, 256>}, {transform_indices = @transform_3, window_bounds = array<i64: 2048, 256>}]} {
    %get3A = arith.constant 0 : index
    %get3A_0 = arith.constant 0 : index
    %get3A_1 = vector.load %arg1[%get3A, %get3A_0] : memref<2048x256xf32, #tpu.memory_space<vmem>>, vector<2048x256xf32>
    %get3A_2 = arith.constant 0 : index
    %get3A_3 = arith.constant 0 : index
    %get3A_4 = vector.load %arg2[%get3A_2, %get3A_3] : memref<256x256xf32, #tpu.memory_space<vmem>>, vector<256x256xf32>
    %dot_general3A = arith.constant dense<0.000000e+00> : vector<2048x256xf32>
    %dot_general3A_5 = tpu.matmul %get3A_1, %get3A_4, %dot_general3A {dimension_numbers = #tpu.dot_dimension_numbers<[1], [0], [0], [1], [0, 0, 1, 1], [], []>, transpose_lhs_hint = false} : vector<2048x256xf32>, vector<256x256xf32>, vector<2048x256xf32> -> vector<2048x256xf32>
    %get3A_6 = arith.constant 0 : index
    %get3A_7 = arith.constant 0 : index
    %get3A_8 = vector.load %arg3[%get3A_6, %get3A_7] : memref<1x256xf32, #tpu.memory_space<vmem>>, vector<1x256xf32>
    %add3A = vector.broadcast %get3A_8 : vector<1x256xf32> to vector<2048x256xf32>
    %add3A_9 = arith.addf %dot_general3A_5, %add3A : vector<2048x256xf32>
    %swap3A = arith.constant 0 : index
    %swap3A_10 = arith.constant 0 : index
    %swap3A_11 = vector.load %arg4[%swap3A, %swap3A_10] : memref<2048x256xf32, #tpu.memory_space<vmem>>, vector<2048x256xf32>
    tpu.vector_store %arg4[%swap3A, %swap3A_10], %add3A_9 {strides = array<i32>} : memref<2048x256xf32, #tpu.memory_space<vmem>>, vector<2048x256xf32>,
    return
  }
  func.func @transform_0(%arg0: i32) -> (i32, i32) {
    %c0_i32 = arith.constant 0 : i32
    %c0_i32_0 = arith.constant 0 : i32
    return %arg0, %c0_i32 : i32, i32
  }
  func.func @transform_1(%arg0: i32) -> (i32, i32) {
    %c0_i32 = arith.constant 0 : i32
    %c0_i32_0 = arith.constant 0 : i32
    %c0_i32_1 = arith.constant 0 : i32
    return %c0_i32, %c0_i32_0 : i32, i32
  }
  func.func @transform_2(%arg0: i32) -> (i32, i32) {
    %c0_i32 = arith.constant 0 : i32
    %c0_i32_0 = arith.constant 0 : i32
    %c0_i32_1 = arith.constant 0 : i32
    return %c0_i32, %c0_i32_0 : i32, i32
  }
  func.func @transform_3(%arg0: i32) -> (i32, i32) {
    %c0_i32 = arith.constant 0 : i32
    %c0_i32_0 = arith.constant 0 : i32
    return %arg0, %c0_i32 : i32, i32
  }
}

</mosaic_0001>

<sc_bundles>
// kernel: kernel.5.cloned.1.call-start
scs
__scs_entry_jumppad:
0x0: {  	(pc) =	sbr.rel $0x88, $3  }
0x1: {  	(tag) =	ssettag $0x0;
	lr =	simm.s32 $0x1  }
0x2: {  	[smem:$0x3F9B] =	sst lr;
	_ =	strace $0xD0000000  }
0x3: {  	_ = 	snop  }
0x4: {  	_ = 	snop  }
0x5: {  	_ = 	snop  }
0x6: {  	_ = 	snop  }
0x7: {  	_ = 	snop  }
__scs_overlays_trampoline_lowered:
0x8: {  	[smem:$0x3FAA] =	sst s0  }
0x9: {  	[smem:$0x3FAB] =	sst s1  }
0xa: {  	[smem:$0x3FAC] =	sst s2  }
0xb: {  	[smem:$0x3FAD] =	sst s3  }
0xc: {  	[smem:$0x3FAE] =	sst s4  }
0xd: {  	[smem:$0x3FAF] =	sst s5  }
0xe: {  	[smem:$0x3FB0] =	sst s6  }
0xf: {  	[smem:$0x3FB1] =	sst s7  }
0x10: {  	[smem:$0x3FB2] =	sst s8  }
0x11: {  	[smem:$0x3FB3] =	sst s9;
	s0 =	simm.s32 @!p0 $0x0  }
0x12: {  	s1 =	sld [smem:$0x3F99];
	s0 =	simm.s32 @p0 $0x1  }
0x13: {  	[smem:$0x3FB4] =	sst s0;
	s0 =	simm.s32 @!p1 $0x0  }
0x14: {  	s2 =	sld [smem:$0x3F98];
	s0 =	simm.s32 @p1 $0x1  }
0x15: {  	[smem:$0x3FB5] =	sst s0;
	s0 =	simm.s32 @!p2 $0x0  }
0x16: {  	s3 =	sld [smem:$0x3FDB];
	s0 =	simm.s32 @p2 $0x1  }
0x17: {  	s4 =	simm.s32 $0x1BF5;
	[smem:$0x3FB7] =	sst s0  }
0x18: {  	s0 =	sld [smem:$0x3F9A];
	_ =	swait.ge [sflag:s4], $0x0  }
0x19: {  	s7 =	sld [smem:$0x3F9B]  }
0x1a: {  	s8 =	sadd.s32 $0xFFFFE003, lr  }
0x1b: {  	s9 =	sadd.s32 $0xFFFFFEF7, lr;
	s5 =	simm.s32 $0xFFFFFFFF;
	p2 =	slt.u32 s8, $0xFFFFF086  }
0x1c: {  	p1 =	slt.u32 s9, $0xF7A;
	s5 =	simm.s32 @!p2 $0x0  }
0x1d: {  	s5 =	simm.s32 @p1 $0x1;
	p0 =	seq.s32 s7, s2  }
0x1e: {  	s7 =	smul.u32 @!p0 $0xF7A, s2;
	p2 =	seq.s32 @!p0 s5, $0x0  }
0x1f: {  	s9 =	smul.u32 $0xF7A, s1;
	s8 =	simm.s32 @!p0 $0x1BF5;
	p2 =	por !p2, p0  }
0x20: {  	[sflag:s8] =	ssyncset.s32 @!p0 $0xFFFFF086;
	s6 =	sadd.s32 @!p0 s3, s7;
	s7 =	simm.s32 @!p0 $0x108  }
0x21: {  	s3 =	sadd.s32 s3, s9;
	s6 =	sadd.s32 @!p0 $0x88, s6;
	s7 =	simm.s32 @p2 $0x1082  }
0x22: {  	[simem:s7], [sflag:s8] =	dma.local @!p0 [hbm:s6], $0xF7A  }
0x23: {  	s9 =	sor.u32 $0xD0000000, s2;
	s6 =	simm.s32 $0x108;
	_ =	swait.ge @!p0 [sflag:s8], $0x0  }
0x24: {  	s3 =	sadd.s32 $0x88, s3;
	s6 =	simm.s32 @!p1 $0x1082;
	[sflag:s4] =	ssyncset.s32 $0xFFFFF086  }
0x25: {  	[simem:s6], [sflag:s4] =	dma.local [hbm:s3], $0xF7A  }
0x26: {  	[smem:$0x3F9B] =	sst s1;
	(tag) =	ssettag s2;
	_ =	strace s9  }
0x27: {  	s1 =	sld [smem:$0x3FAB]  }
0x28: {  	s2 =	sld [smem:$0x3FAC]  }
0x29: {  	s4 =	sld [smem:$0x3FAE]  }
0x2a: {  	p0 =	seq.s32 s5, $0x0;
	s5 =	sld [smem:$0x3FAF]  }
0x2b: {  	s6 =	sld [smem:$0x3FB0]  }
0x2c: {  	s7 =	sld [smem:$0x3FB1]  }
0x2d: {  	s3 =	simm.s32 $0x108;
	s8 =	sld [smem:$0x3FB2]  }
0x2e: {  	s3 =	simm.s32 @!p0 $0x1082;
	s9 =	sld [smem:$0x3FB3]  }
0x2f: {  	lr =	sadd.s32 s0, s3;
	s0 =	sld [smem:$0x3FAA]  }
0x30: {  	s3 =	sld [smem:$0x3FAD]  }
0x31: {  	[smem:$0x3FB6] =	sst s10  }
0x32: {  	s10 =	sld [smem:$0x3FB4];
	_ =	sdelay $0x3  }
0x33: {  	p0 =	seq.s32 s10, $0x1;
	s10 =	sld [smem:$0x3FB6];
	_ =	sdelay $0x3  }
0x34: {  	[smem:$0x3FB6] =	sst s10  }
0x35: {  	s10 =	sld [smem:$0x3FB5];
	_ =	sdelay $0x3  }
0x36: {  	p1 =	seq.s32 s10, $0x1;
	s10 =	sld [smem:$0x3FB6];
	_ =	sdelay $0x3  }
0x37: {  	[smem:$0x3FB6] =	sst s10  }
0x38: {  	s10 =	sld [smem:$0x3FB7]  }
0x39: {  	_ = 	snop;
	(pc) =	sbr.ind lr, $3  }
0x3a: {  	_ = 	snop  }
0x3b: {  	_ = 	snop  }
0x3c: {  	p2 =	seq.s32 s10, $0x1;
	s10 =	sld [smem:$0x3FB6]  }
0x3d: {  	_ =	shalt  }
0x3e: {  	_ =	shalt  }
0x3f: {  	_ =	shalt  }
0x40: {  	_ =	shalt  }
0x41: {  	_ =	shalt  }
0x42: {  	_ =	shalt  }
0x43: {  	_ =	shalt  }
0x44: {  	_ =	shalt  }
0x45: {  	_ =	shalt  }
0x46: {  	_ =	shalt  }
0x47: {  	_ =	shalt  }
0x48: {  	_ =	shalt  }
0x49: {  	_ =	shalt  }
0x4a: {  	_ =	shalt  }
0x4b: {  	_ =	shalt  }
0x4c: {  	_ =	shalt  }
0x4d: {  	_ =	shalt  }
0x4e: {  	_ =	shalt  }
0x4f: {  	_ =	shalt  }
0x50: {  	_ =	shalt  }
0x51: {  	_ =	shalt  }
0x52: {  	_ =	shalt  }
0x53: {  	_ =	shalt  }
0x54: {  	_ =	shalt  }
0x55: {  	_ =	shalt  }
0x56: {  	_ =	shalt  }
0x57: {  	_ =	shalt  }
0x58: {  	_ =	shalt  }
0x59: {  	_ =	shalt  }
0x5a: {  	_ =	shalt  }
0x5b: {  	_ =	shalt  }
0x5c: {  	_ =	shalt  }
0x5d: {  	_ =	shalt  }
0x5e: {  	_ =	shalt  }
0x5f: {  	_ =	shalt  }
0x60: {  	_ =	shalt  }
0x61: {  	_ =	shalt  }
0x62: {  	_ =	shalt  }
0x63: {  	_ =	shalt  }
0x64: {  	_ =	shalt  }
0x65: {  	_ =	shalt  }
0x66: {  	_ =	shalt  }
0x67: {  	_ =	shalt  }
0x68: {  	_ =	shalt  }
0x69: {  	_ =	shalt  }
0x6a: {  	_ =	shalt  }
0x6b: {  	_ =	shalt  }
0x6c: {  	_ =	shalt  }
0x6d: {  	_ =	shalt  }
0x6e: {  	_ =	shalt  }
0x6f: {  	_ =	shalt  }
0x70: {  	_ =	shalt  }
0x71: {  	_ =	shalt  }
0x72: {  	_ =	shalt  }
0x73: {  	_ =	shalt  }
0x74: {  	_ =	shalt  }
0x75: {  	_ =	shalt  }
0x76: {  	_ =	shalt  }
0x77: {  	_ =	shalt  }
0x78: {  	_ =	shalt  }
0x79: {  	_ =	shalt  }
0x7a: {  	_ =	shalt  }
0x7b: {  	_ =	shalt  }
0x7c: {  	_ =	shalt  }
0x7d: {  	_ =	shalt  }
0x7e: {  	_ =	shalt  }
0x7f: {  	_ =	shalt  }
0x80: {  	_ =	shalt  }
0x81: {  	_ =	shalt  }
0x82: {  	_ =	shalt  }
0x83: {  	_ =	shalt  }
0x84: {  	_ =	shalt  }
0x85: {  	_ =	shalt  }
0x86: {  	_ =	shalt  }
0x87: {  	_ =	shalt  }
.Lfunc_end0:
.L_simem_size_0:
called_computation_lowered:
.L_overlay_start_0:
0x88: {  	s2 =	sld [smem:$0x3FD9]  }
0x89: {  	s3 =	sld [smem:$0x3FFE];
	_ =	sdelay $0x1  }
0x8a: {  	s1 =	srdreg.scid  }
0x8b: {  	s0 =	sand.u32 $0x1, s1  }
0x8c: {  	s14 =	sshll.u32 s0, $0xA;
	s2 =	sadd.s32 s3, s2  }
0x8d: {  	s2 =	sadd.s32 s2, s14  }
0x8e: {  	[smem:$0x3FC2] =	sst s2  }
0x8f: {  	_ = 	snop  }
0x90: {  	s2 =	sld [smem:$0x3FD0];
	_ =	sdelay $0x2  }
0x91: {  	s4 =	simm.s32 $0xA;
	s5 =	simm.s32 $0x10;
	s15 =	sld [smem:$0x3FC8]  }
0x92: {  	[smem:s5], [sflag:s4] =	dma.local [hbm:s2], $0x1  }
0x93: {  	_ =	swait.eq [sflag:s4], $0x1  }
0x94: {  	[sflag:s4] =	ssyncset.done $0x0  }
0x95: {  	[sflag:s4] =	ssyncadd.s32 $0xFFFFFFFF  }
0x96: {  	s16 =	sld [smem:$0x11];
	(tm) =	ssettm $0x1  }
0x97: {  	s17 =	sld [smem:$0x3FFB];
	_ =	sdelay $0x3  }
0x98: {  	_ =	strace s17  }
0x99: {  	s4 =	sld [smem:$0x3FFC];
	_ =	sdelay $0x3  }
0x9a: {  	_ =	strace s4  }
0x9b: {  	s4 =	sld [smem:$0x3FFD];
	_ =	sdelay $0x3  }
0x9c: {  	_ =	strace s4  }
0x9d: {  	_ =	strace $0x8FFFFFFF  }
0x9e: {  	s18 =	sld [smem:$0x3FDB];
	_ =	sdelay $0x1  }
0x9f: {  	s19 =	simm.s32 $_scs_section_size  }
0xa0: {  	s6 =	simm.s32 $_size__tile_overlayer_lowered;
	s7 =	simm.s32 $_tile_overlayer_lowered  }
0xa1: {  	s22 =	simm.s32 $0x1BFF;
	s21 =	sshll.u32 s7, $0x1;
	s4 =	sadd.s32 s19, s18  }
0xa2: {  	s8 =	simm.s32 $0x0;
	s20 =	sshll.u32 s6, $0x1;
	s6 =	sadd.s32 s21, s4  }
0xa3: {  	[timem:s8], [sflag:s22] =	dma.local [hbm:s6], s20  }
0xa4: {  	_ =	swait.ge [sflag:s22], s20  }
0xa5: {  	s5 =	ssub.s32 $0x0, s20;
	[sflag:s22] =	ssyncset.done $0x0  }
0xa6: {  	[sflag:s22] =	ssyncadd.s32 s5;
	_ =	sdelay $0x1  }
0xa7: {  	s23 =	simm.s32 $0x1B8B  }
0xa8: {  	_ =	swait.ge [sflag:s23], $0x1  }
0xa9: {  	[sflag:s23] =	ssyncset.done $0x0  }
0xaa: {  	s25 =	simm.s32 $0x1B8E;
	s24 =	sld [smem:$0x3FFE];
	[sflag:s23] =	ssyncadd.s32 $0xFFFFFFFF  }
0xab: {  	s26 =	simm.s32 $execute0_lowered;
	[smem:$0x3FD2] =	sst s25  }
0xac: {  	s6 =	sshll.u32 s26, $0x1;
	_ =	strace $0x80000046;
	[dreg:$0x1] =	wrdreg $0xFFFFFFFF  }
0xad: {  	s28 =	simm.s32 $_size_execute0_lowered;
	s4 =	sadd.s32 s4, s6;
	[dreg:$0x0] =	wrdreg $0x0  }
0xae: {  	s6 =	sshll.u32 s28, $0x1;
	[dreg:$0x2] =	wrdreg s4  }
0xaf: {  	[dreg:$0x3] =	wrdreg s6  }
0xb0: {  	[dreg:$0x4] =	wrdreg $0xC0  }
0xb1: {  	_ =	task [dreg:s8], $0x5FFFF  }
0xb2: {  	[dreg:$0x1] =	wrdreg $0xFFFFFFFF  }
0xb3: {  	[dreg:$0x0] =	wrdreg $0x60  }
0xb4: {  	[dreg:$0x2] =	wrdreg s24  }
0xb5: {  	[dreg:$0x3] =	wrdreg s15  }
0xb6: {  	[dreg:$0x4] =	wrdreg s16  }
0xb7: {  	[dreg:$0x5] =	wrdreg $0x9  }
0xb8: {  	_ =	task.clear_ibuf [dreg:s8], $0x6FFFF;
	_ =	strace $0x90000046  }
0xb9: {  	s29 =	simm.s32 $0x9;
	_ =	strace $0x80000048  }
0xba: {  	_ =	swait.ge [sflag:s29], $0x1  }
0xbb: {  	[sflag:s29] =	ssyncadd.s32 $0xFFFFFFFF  }
0xbc: {  	_ =	strace $0x90000048  }
0xbd: {  	_ =	sfence  }
0xbe: {  	s30 =	sld [smem:$0x0];
	_ =	sdelay $0x2  }
0xbf: {  	s31 =	sshll.u32 s1, $0xD;
	s1 =	sshrl.u32 s1, $0x2  }
0xc0: {  	s3 =	sand.u32 $0x4000, s31;
	s1 =	sadd.s32 s1, s30  }
0xc1: {  	s0 =	sor.u32 s3, s0;
	s1 =	sshll.u32 s1, $0x11  }
0xc2: {  	s0 =	sor.u32 s1, s0  }
0xc3: {  	s0 =	sadd.s32 $0x8F2B, s0  }
0xc4: {  	[sflag:s0] =	ssyncadd.remote.s32 $0x1  }
0xc5: {  	_ =	sfence.sel $0xFFFF  }
0xc6: {  	[dreg:$0x0] =	wrdreg $0xFFFFFFFF;
	(pc) =	sbr.abs _section_cstart, $3  }
0xc7: {  	[dreg:$0x1] =	wrdreg $0xFFFFFFFF  }
0xc8: {  	_ =	task.clear_ibuf [dreg:s8], $0x2FFFF;
	_ =	strace $0x9FFFFFFF  }
0xc9: {  	(tm) =	ssettm $0x7FFFFFFF  }
tec
execute0_lowered:
.L_overlay_start_1:
0x0: {  	(tag) =	ssettag $0x1  }
0x1: {  	s4 =	rddreg [dreg:$0x0]  }
0x2: {  	s7 =	rddreg [dreg:$0x1]  }
0x3: {  	s6 =	rddreg [dreg:$0x2]  }
0x4: {  	s0 =	rddreg [dreg:$0x3];
	s2 =	simm.s32 $0x0;
	s3 =	srdreg.scid  }
0x5: {  	s1 =	stileid.u32;
	s12 =	simm.s32 $0xA800;
	s13 =	simm.s32 $0x11600  }
0x6: {  	s14 =	simm.s32 $0xC600;
	s5 =	sand.u32 $0x1, s3;
	s29 =	sshll.u32 s1, $0x1  }
0x7: {  	s15 =	simm.s32 $0x0;
	[smem:$0x7FF] =	sst s2;
	s8 =	sor.u32 s5, s29  }
0x8: {  	s3 =	sadd.s32 $0x1E00, s4;
	s4 =	sadd.s32 $0x3200, s4;
	s9 =	smul.u32 $0x2800, s8  }
0x9: {  	_ =	strace $0x80000047;
	s5 =	ssub.s32 $0x2, s5;
	s11 =	smul.u32 $0x5000, s8  }
0xa: {  	s10 =	sshrl.u32 s5, $0x1;
	s30 =	smul.u32 $0x500, s8;
	p0 =	seq.s32 s8, $0x1F  }
0xb: {  	s10 =	ssub.s32 s5, s10;
	s9 =	sshrl.u32 s9, $0x3;
	s31 =	sshrl.u32 s11, $0x3  }
0xc: {  	s5 =	sadd.s32 s7, s30;
	s11 =	simm.s32 $0x9E00;
	s8 =	sadd.s32 $0x140, s9  }
0xd: {  	s6 =	sadd.s32 s6, s31;
	s9 =	smax.u32 s10, $0x1;
	s8 =	simm.s32 @p0 $0x0  }
0xe: {  	s10 =	simm.s32 $0x1;
	s7 =	sadd.s32 s7, s8;
	s8 =	sadd.s32 $0x280, s6  }
.LBB2_1:
0xf: {  	[tilespmem:s2], [sflag:$0x1] =	stream.linear.gather [hbm4b:s3+s2], $0x9E00, $0x38;
	[tilespmem:$0x11800] =	vst v63  }
0x10: {  	_ =	swait.ge [sflag:s10], $0x9E00  }
0x11: {  	[sflag:s10] =	ssyncset.done $0x0  }
0x12: {  	[sflag:s10] =	ssyncadd.s32 $0xFFFF6200  }
0x13: {  	[tilespmem:s11], [sflag:$0x1] =	stream.linear.gather [hbm4b:s5+s2], $0xA00, $0x38;
	[tilespmem:$0x11800] =	vst v63  }
0x14: {  	_ =	swait.ge [sflag:s10], $0xA00  }
0x15: {  	[sflag:s10] =	ssyncset.done $0x0  }
0x16: {  	[sflag:s10] =	ssyncadd.s32 $0xFFFFF600  }
0x17: {  	[tilespmem:s12], [sflag:$0x1] =	stream.linear.gather [hbm4b:s7+s2], $0x1E00, $0x38;
	[tilespmem:$0x11800] =	vst v63  }
0x18: {  	_ =	swait.ge [sflag:s10], $0x1E00  }
0x19: {  	[sflag:s10] =	ssyncset.done $0x0  }
0x1a: {  	[sflag:s10] =	ssyncadd.s32 $0xFFFFE200  }
0x1b: {  	[tilespmem:s13], [sflag:$0x1] =	stream.linear.gather [hbm4b:s4+s2], $0x200, $0x38;
	[tilespmem:$0x11800] =	vst v63  }
0x1c: {  	_ =	swait.ge [sflag:s10], $0x200  }
0x1d: {  	[sflag:s10] =	ssyncset.done $0x0  }
0x1e: {  	s16 =	simm.s32 $0x9E80;
	[sflag:s10] =	ssyncadd.s32 $0xFFFFFE00  }
0x1f: {  	v0 =	vld [tilespmem:s16+$0x70]  }
0x20: {  	v2 =	vld [tilespmem:s16+$0xFFFFFFF0]  }
0x21: {  	v3 =	vld [tilespmem:s16+$0x0]  }
0x22: {  	v4 =	vld [tilespmem:s16+$0xFFFFFF90]  }
0x23: {  	v5 =	vld [tilespmem:s16+$0x10]  }
0x24: {  	v6 =	vld [tilespmem:s16+$0xFFFFFFA0]  }
0x25: {  	v7 =	vld [tilespmem:s16+$0x20]  }
0x26: {  	v9 =	vld [tilespmem:s16+$0xFFFFFFB0]  }
0x27: {  	v11 =	vld [tilespmem:s16+$0xFFFFFFC0]  }
0x28: {  	v16 =	vld [tilespmem:s16+$0x40]  }
0x29: {  	v17 =	vld [tilespmem:s16+$0xFFFFFFD0];
	v1 =	vshll.u32 v0, $0x2  }
0x2a: {  	v20 =	vld [tilespmem:s16+$0x50];
	v0 =	vand.u32 $0x7F, v0;
	v8 =	vshll.u32 v2, $0x2;
	v42 =	vand.u32 $0x7F, v2  }
0x2b: {  	v44 =	vshll.u32 v3, $0x2;
	v13 =	vshll.u32 v5, $0x2;
	v14 =	vshll.u32 v4, $0x2  }
0x2c: {  	v26 =	vld [tilespmem:s16+$0x60];
	v45 =	vshll.u32 v6, $0x2;
	v18 =	vshll.u32 v7, $0x2;
	v3 =	vand.u32 $0x7F, v3  }
0x2d: {  	v27 =	vld [tilespmem:s16+$0xFFFFFF80];
	v46 =	vshll.u32 v9, $0x2;
	v5 =	vand.u32 $0x7F, v5;
	v23 =	vand.u32 $0x7F, v4  }
0x2e: {  	v47 =	vshll.u32 v11, $0x2;
	v7 =	vand.u32 $0x7F, v7;
	v24 =	vshll.u32 v16, $0x2  }
0x2f: {  	v6 =	vand.u32 $0x7F, v6;
	v48 =	vshll.u32 v17, $0x2;
	v28 =	vshll.u32 v20, $0x2  }
0x30: {  	v9 =	vand.u32 $0x7F, v9;
	v16 =	vand.u32 $0x7F, v16;
	v11 =	vand.u32 $0x7F, v11  }
0x31: {  	v20 =	vand.u32 $0x7F, v20;
	v17 =	vand.u32 $0x7F, v17;
	v33 =	vshll.u32 v26, $0x2  }
0x32: {  	v49 =	vshll.u32 v27, $0x2;
	v27 =	vand.u32 $0x7F, v27;
	v26 =	vand.u32 $0x7F, v26  }
0x33: {  	v1 =	vand.u32 $0xFFFFFE00, v1;
	v43 =	vand.u32 $0xFFFFFE00, v8;
	v15 =	vand.u32 $0xFFFFFE00, v44  }
0x34: {  	v13 =	vand.u32 $0xFFFFFE00, v13;
	v18 =	vand.u32 $0xFFFFFE00, v18;
	v3 =	vor.u32 v3, v15  }
0x35: {  	v14 =	vand.u32 $0xFFFFFE00, v14;
	v19 =	vand.u32 $0xFFFFFE00, v45;
	v7 =	vor.u32 v7, v18  }
0x36: {  	v22 =	vand.u32 $0xFFFFFE00, v46;
	v25 =	vand.u32 $0xFFFFFE00, v47;
	v1 =	vor.u32 v0, v1  }
0x37: {  	v24 =	vand.u32 $0xFFFFFE00, v24;
	v2 =	vor.u32 v42, v43;
	v10 =	vor.u32 $0x80, v1  }
0x38: {  	v8 =	vld [tilespmem:s16+$0x30];
	v29 =	vand.u32 $0xFFFFFE00, v48;
	v28 =	vand.u32 $0xFFFFFE00, v28;
	v12 =	vor.u32 $0x180, v2  }
0x39: {  	v5 =	vor.u32 v5, v13;
	v13 =	vor.u32 v23, v14;
	v6 =	vor.u32 v6, v19;
	v19 =	vld.idx.msk [tilespmem:v3+s2+$0x0], $0xffff  }
0x3a: {  	v33 =	vand.u32 $0xFFFFFE00, v33;
	v9 =	vor.u32 v9, v22;
	v22 =	vor.u32 $0x100, v13;
	v23 =	vld.idx.msk [tilespmem:v7+s2+$0x0], $0xffff  }
0x3b: {  	v11 =	vor.u32 v11, v25;
	v17 =	vor.u32 v17, v29;
	v13 =	vor.u32 $0x180, v13;
	v1 =	vld.idx.msk [tilespmem:v1+s2+$0x0], $0xffff  }
0x3c: {  	v18 =	vor.u32 v26, v33;
	v26 =	vor.u32 $0x100, v9;
	v9 =	vor.u32 $0x180, v9;
	v10 =	vld.idx.msk [tilespmem:v10+s2+$0x0], $0xffff  }
0x3d: {  	v2 =	vor.u32 $0x100, v2;
	v21 =	vshll.u32 v8, $0x2;
	v8 =	vand.u32 $0x7F, v8;
	v4 =	vld.idx.msk [tilespmem:v12+s2+$0x0], $0xffff  }
0x3e: {  	v3 =	vor.u32 $0x80, v3;
	v7 =	vor.u32 $0x80, v7;
	v12 =	vand.u32 $0xFFFFFE00, v21;
	v21 =	vld [tilespmem:s16+$0xFFFFFFE0]  }
0x3f: {  	v22 =	vld.idx.msk [tilespmem:v22+s2+$0x0], $0xffff;
	v8 =	vor.u32 v8, v12;
	v12 =	vor.u32 v16, v24;
	v16 =	vor.u32 v20, v28  }
0x40: {  	v13 =	vld.idx.msk [tilespmem:v13+s2+$0x0], $0xffff;
	v24 =	vor.u32 $0x100, v6;
	v6 =	vor.u32 $0x180, v6;
	v28 =	vor.u32 $0x100, v11  }
0x41: {  	v9 =	vld.idx.msk [tilespmem:v9+s2+$0x0], $0xffff;
	v11 =	vor.u32 $0x180, v11;
	v51 =	vshll.u32 v19, $0x10;
	v36 =	vshll.u32 v23, $0x10  }
0x42: {  	v23 =	vand.u32 $0xFFFF0000, v23;
	v59 =	vshll.u32 v1, $0x10;
	v46 =	vand.u32 $0xFFFF0000, v1  }
0x43: {  	v30 =	vshll.u32 v21, $0x2;
	v31 =	vand.u32 $0xFFFF0000, v10;
	v32 =	vand.u32 $0xFFFF0000, v4  }
0x44: {  	v0 =	vld [tilespmem:$0x11780];
	v21 =	vand.u32 $0x7F, v21;
	v10 =	vshll.u32 v10, $0x10;
	v52 =	vshll.u32 v22, $0x10  }
0x45: {  	v22 =	vand.u32 $0xFFFF0000, v22;
	v44 =	vshll.u32 v13, $0x10;
	v13 =	vand.u32 $0xFFFF0000, v13;
	v25 =	vld.idx.msk [tilespmem:v8+s2+$0x0], $0xffff  }
0x46: {  	v56 =	vshll.u32 v9, $0x10;
	v9 =	vand.u32 $0xFFFF0000, v9;
	v4 =	vshll.u32 v4, $0x10;
	v29 =	vld.idx.msk [tilespmem:v16+s2+$0x0], $0xffff  }
0x47: {  	v30 =	vand.u32 $0xFFFFFE00, v30;
	v31 =	vadd.f32 v32, v31;
	v32 =	vand.u32 $0xFFFFFE00, v49;
	v24 =	vld.idx.msk [tilespmem:v24+s2+$0x0], $0xffff  }
0x48: {  	v8 =	vor.u32 $0x80, v8;
	v16 =	vor.u32 $0x80, v16;
	v28 =	vld.idx.msk [tilespmem:v28+s2+$0x0], $0xffff;
	v4 =	vadd.f32 v4, v10  }
0x49: {  	v15 =	vor.u32 v27, v32;
	v20 =	vor.u32 v21, v30;
	v21 =	vld.idx.msk [tilespmem:v5+s2+$0x0], $0xffff;
	v5 =	vor.u32 $0x80, v5  }
0x4a: {  	v27 =	vld.idx.msk [tilespmem:v12+s2+$0x0], $0xffff;
	v12 =	vor.u32 $0x80, v12;
	v30 =	vor.u32 $0x100, v17;
	v31 =	vadd.f32 v31, v0  }
0x4b: {  	v17 =	vor.u32 $0x180, v17;
	v50 =	vor.u32 $0x100, v20;
	v20 =	vor.u32 $0x180, v20  }
0x4c: {  	v11 =	vld.idx.msk [tilespmem:v11+s2+$0x0], $0xffff;
	v14 =	vsub.f32 $0.0e+00, v31;
	v31 =	vor.u32 $0x80, v18;
	v37 =	vshll.u32 v25, $0x10  }
0x4d: {  	v26 =	vld.idx.msk [tilespmem:v26+s2+$0x0], $0xffff;
	v25 =	vand.u32 $0xFFFF0000, v25;
	v42 =	vshll.u32 v29, $0x10;
	v29 =	vand.u32 $0xFFFF0000, v29  }
0x4e: {  	v45 =	vld.idx.msk [tilespmem:v2+s2+$0x0], $0xffff;
	v53 =	vshll.u32 v24, $0x10;
	v24 =	vand.u32 $0xFFFF0000, v24;
	v58 =	vshll.u32 v28, $0x10  }
0x4f: {  	v2 =	vld [tilespmem:$0x11680];
	v28 =	vand.u32 $0xFFFF0000, v28;
	v14 =	vmul.f32 $1.442695020e+00, v14;
	v34 =	vshll.u32 v21, $0x10  }
0x50: {  	v1 =	vld [tilespmem:$0x11600];
	v21 =	vand.u32 $0xFFFF0000, v21;
	v38 =	vshll.u32 v27, $0x10;
	v27 =	vand.u32 $0xFFFF0000, v27  }
0x51: {  	v8 =	vld.idx.msk [tilespmem:v8+s2+$0x0], $0xffff;
	v36 =	vadd.f32 v53, v36;
	v23 =	vadd.f32 v24, v23;
	v24 =	vshll.u32 v11, $0x10  }
0x52: {  	v16 =	vld.idx.msk [tilespmem:v16+s2+$0x0], $0xffff;
	v11 =	vand.u32 $0xFFFF0000, v11;
	v34 =	vadd.f32 v52, v34;
	v21 =	vadd.f32 v22, v21  }
0x53: {  	v35 =	vld.idx.msk [tilespmem:v5+s2+$0x0], $0xffff;
	v22 =	vshll.u32 v26, $0x10;
	v26 =	vand.u32 $0xFFFF0000, v26;
	v38 =	vadd.f32 v58, v38  }
0x54: {  	v12 =	vld.idx.msk [tilespmem:v12+s2+$0x0], $0xffff;
	v27 =	vadd.f32 v28, v27;
	(erf) = vpow2.f32 v14;
	v22 =	vadd.f32 v22, v37  }
0x55: {  	v30 =	vld.idx.msk [tilespmem:v30+s2+$0x0], $0xffff;
	v14 =	vor.u32 $0x100, v15;
	v25 =	vadd.f32 v26, v25;
	v23 =	vadd.f32 v23, v2  }
0x56: {  	v17 =	vld.idx.msk [tilespmem:v17+s2+$0x0], $0xffff;
	v15 =	vor.u32 $0x180, v15;
	v21 =	vadd.f32 v21, v2;
	v52 =	vadd.f32 v38, v1  }
0x57: {  	v27 =	vadd.f32 v27, v2;
	v55 =	vshll.u32 v8, $0x10;
	v8 =	vand.u32 $0xFFFF0000, v8  }
0x58: {  	v60 =	vld.idx.msk [tilespmem:v50+s2+$0x0], $0xffff;
	v61 =	vshll.u32 v16, $0x10;
	v16 =	vand.u32 $0xFFFF0000, v16;
	v22 =	vadd.f32 v22, v1  }
0x59: {  	v20 =	vld.idx.msk [tilespmem:v20+s2+$0x0], $0xffff;
	v25 =	vadd.f32 v25, v2;
	v43 =	vshll.u32 v35, $0x10;
	v35 =	vand.u32 $0xFFFF0000, v35  }
0x5a: {  	v18 =	vld.idx.msk [tilespmem:v18+s2+$0x0], $0xffff;
	v57 =	vshll.u32 v12, $0x10;
	v12 =	vand.u32 $0xFFFF0000, v12;
	v62 =	vshll.u32 v30, $0x10  }
0x5b: {  	v26 =	vand.u32 $0xFFFF0000, v30;
	v30 =	vadd.f32 v56, v55;
	v63 =	vshll.u32 v17, $0x10  }
0x5c: {  	v17 =	vand.u32 $0xFFFF0000, v17;
	v8 =	vadd.f32 v9, v8;
	v43 =	vadd.f32 v44, v43  }
0x5d: {  	v13 =	vadd.f32 v13, v35;
	v47 =	vshll.u32 v60, $0x10;
	v48 =	vand.u32 $0xFFFF0000, v60  }
0x5e: {  	v3 =	vld.idx.msk [tilespmem:v3+s2+$0x0], $0xffff;
	v28 =	vshll.u32 v20, $0x10;
	v24 =	vadd.f32 v24, v57;
	v11 =	vadd.f32 v11, v12  }
0x5f: {  	v31 =	vld.idx.msk [tilespmem:v31+s2+$0x0], $0xffff;
	v12 =	vshll.u32 v18, $0x10;
	v49 =	vadd.f32 v62, v42;
	v26 =	vadd.f32 v26, v29  }
0x60: {  	v18 =	vand.u32 $0xFFFF0000, v18;
	v29 =	vadd.f32 v63, v61;
	v16 =	vadd.f32 v17, v16  }
0x61: {  	v17 =	vand.u32 $0xFFFF0000, v20;
	v20 =	vand.u32 $0xFFFF0000, v45;
	v12 =	vadd.f32 v47, v12  }
0x62: {  	v19 =	vand.u32 $0xFFFF0000, v19;
	v6 =	vld.idx.msk [tilespmem:v6+s2+$0x0], $0xffff;
	v18 =	vadd.f32 v48, v18;
	v20 =	vadd.f32 v20, v46  }
0x63: {  	v39 =	vshll.u32 v3, $0x10;
	v8 =	vadd.f32 v8, v0;
	v13 =	vadd.f32 v13, v0  }
0x64: {  	v14 =	vld.idx.msk [tilespmem:v14+s2+$0x0], $0xffff;
	v9 =	vshll.u32 v31, $0x10;
	v11 =	vadd.f32 v11, v0;
	v35 =	vadd.f32 v49, v1  }
0x65: {  	v15 =	vld.idx.msk [tilespmem:v15+s2+$0x0], $0xffff;
	v31 =	vand.u32 $0xFFFF0000, v31;
	v26 =	vadd.f32 v26, v2;
	v16 =	vadd.f32 v16, v0  }
0x66: {  	v7 =	vld.idx.msk [tilespmem:v7+s2+$0x0], $0xffff;
	v3 =	vand.u32 $0xFFFF0000, v3;
	v9 =	vadd.f32 v28, v9;
	v17 =	vadd.f32 v17, v31  }
0x67: {  	v54 =	vshll.u32 v6, $0x10;
	v31 =	vadd.f32 v34, v1;
	v12 =	vadd.f32 v12, v1  }
0x68: {  	v6 =	vand.u32 $0xFFFF0000, v6;
	v18 =	vadd.f32 v18, v2;
	v8 =	vsub.f32 $0.0e+00, v8;
	v5 =	vpop (erf)  }
0x69: {  	v17 =	vadd.f32 v17, v0;
	v5 =	vadd.f32 $1.000000000e+00, v5;
	v40 =	vshll.u32 v14, $0x10  }
0x6a: {  	v14 =	vand.u32 $0xFFFF0000, v14;
	v41 =	vshll.u32 v15, $0x10;
	v15 =	vand.u32 $0xFFFF0000, v15  }
0x6b: {  	v33 =	vadd.f32 v40, v51;
	v14 =	vadd.f32 v14, v19;
	v19 =	vshll.u32 v7, $0x10  }
0x6c: {  	v7 =	vand.u32 $0xFFFF0000, v7;
	v39 =	vadd.f32 v41, v39;
	v15 =	vadd.f32 v15, v3  }
0x6d: {  	v51 =	vadd.f32 v36, v1;
	v6 =	vadd.f32 v6, v7;
	v7 =	vshll.u32 v45, $0x10  }
0x6e: {  	v3 =	vld [tilespmem:$0x11700];
	v19 =	vadd.f32 v54, v19;
	v7 =	vadd.f32 v7, v59  }
0x6f: {  	v10 =	vadd.f32 v33, v1;
	v14 =	vadd.f32 v14, v2  }
0x70: {  	v15 =	vadd.f32 v15, v0;
	v6 =	vadd.f32 v6, v0  }
0x71: {  	v10 =	vsub.f32 $0.0e+00, v10;
	v53 =	vadd.f32 v7, v1  }
0x72: {  	(erf) = vrcp.f32 v5;
	v5 =	vsub.f32 $0.0e+00, v14;
	v14 =	vadd.f32 v20, v2  }
0x73: {  	v28 =	vadd.f32 v39, v3;
	v50 =	vadd.f32 v43, v3  }
0x74: {  	v8 =	vmul.f32 $1.442695020e+00, v8;
	v19 =	vadd.f32 v19, v3;
	v30 =	vadd.f32 v30, v3  }
0x75: {  	v24 =	vadd.f32 v24, v3;
	v10 =	vmul.f32 $1.442695020e+00, v10;
	v7 =	vsub.f32 $0.0e+00, v28  }
0x76: {  	v20 =	vadd.f32 v4, v3;
	v4 =	vsub.f32 $0.0e+00, v15;
	v5 =	vmul.f32 $1.442695020e+00, v5  }
0x77: {  	v15 =	vsub.f32 $0.0e+00, v31;
	(erf) = vpow2.f32 v10;
	v7 =	vmul.f32 $1.442695020e+00, v7  }
0x78: {  	v4 =	vmul.f32 $1.442695020e+00, v4;
	v10 =	vsub.f32 $0.0e+00, v21;
	(erf) = vpow2.f32 v5  }
0x79: {  	v15 =	vmul.f32 $1.442695020e+00, v15;
	v5 =	vsub.f32 $0.0e+00, v50;
	(erf) = vpow2.f32 v7  }
0x7a: {  	v10 =	vmul.f32 $1.442695020e+00, v10;
	v7 =	vsub.f32 $0.0e+00, v13;
	(erf) = vpow2.f32 v4  }
0x7b: {  	v5 =	vmul.f32 $1.442695020e+00, v5;
	v4 =	vsub.f32 $0.0e+00, v51;
	(erf) = vpow2.f32 v15  }
0x7c: {  	v13 =	vsub.f32 $0.0e+00, v23;
	v7 =	vmul.f32 $1.442695020e+00, v7;
	(erf) = vpow2.f32 v10  }
0x7d: {  	v10 =	vsub.f32 $0.0e+00, v19;
	v4 =	vmul.f32 $1.442695020e+00, v4;
	(erf) = vpow2.f32 v5  }
0x7e: {  	v5 =	vsub.f32 $0.0e+00, v6;
	v6 =	vmul.f32 $1.442695020e+00, v13;
	(erf) = vpow2.f32 v7  }
0x7f: {  	v7 =	vsub.f32 $0.0e+00, v22;
	v10 =	vmul.f32 $1.442695020e+00, v10;
	(erf) = vpow2.f32 v4  }
0x80: {  	v13 =	vsub.f32 $0.0e+00, v25;
	v5 =	vmul.f32 $1.442695020e+00, v5;
	(erf) = vpow2.f32 v6  }
0x81: {  	v4 =	vpop (erf);
	v6 =	vsub.f32 $0.0e+00, v30;
	v7 =	vmul.f32 $1.442695020e+00, v7;
	(erf) = vpow2.f32 v10  }
0x82: {  	v10 =	vmul.f32 $1.442695020e+00, v13;
	v15 =	vpop (erf);
	(erf) = vpow2.f32 v5;
	v5 =	vsub.f32 $0.0e+00, v52  }
0x83: {  	v6 =	vmul.f32 $1.442695020e+00, v6;
	v19 =	vpop (erf);
	(erf) = vpow2.f32 v7;
	v7 =	vsub.f32 $0.0e+00, v27  }
0x84: {  	v21 =	vpop (erf);
	(erf) = vpow2.f32 v10;
	v10 =	vsub.f32 $0.0e+00, v24;
	v5 =	vmul.f32 $1.442695020e+00, v5  }
0x85: {  	v22 =	vpop (erf);
	(erf) = vpow2.f32 v6;
	v6 =	vsub.f32 $0.0e+00, v11;
	v7 =	vmul.f32 $1.442695020e+00, v7  }
0x86: {  	v29 =	vadd.f32 v29, v3;
	v23 =	vpop (erf);
	(erf) = vpow2.f32 v8;
	v10 =	vmul.f32 $1.442695020e+00, v10  }
0x87: {  	v8 =	vsub.f32 $0.0e+00, v35;
	v24 =	vpop (erf);
	(erf) = vpow2.f32 v5;
	v6 =	vmul.f32 $1.442695020e+00, v6  }
0x88: {  	v5 =	vsub.f32 $0.0e+00, v26;
	v25 =	vpop (erf);
	(erf) = vpow2.f32 v7;
	v7 =	vsub.f32 $0.0e+00, v29  }
0x89: {  	v8 =	vmul.f32 $1.442695020e+00, v8;
	v26 =	vpop (erf);
	(erf) = vpow2.f32 v10;
	v10 =	vsub.f32 $0.0e+00, v16  }
0x8a: {  	v9 =	vadd.f32 v9, v3;
	[tilespmem:$0x1FFF0] =	vst v4;
	v11 =	vmul.f32 $1.442695020e+00, v5;
	v4 =	vpop (erf);
	(erf) = vpow2.f32 v6  }
0x8b: {  	v12 =	vsub.f32 $0.0e+00, v12;
	v6 =	vpop (erf);
	(erf) = vpow2.f32 v8;
	v10 =	vmul.f32 $1.442695020e+00, v10  }
0x8c: {  	v13 =	vmul.f32 $1.442695020e+00, v7;
	v7 =	vpop (erf);
	(erf) = vpow2.f32 v11;
	v11 =	vsub.f32 $0.0e+00, v9  }
0x8d: {  	v12 =	vmul.f32 $1.442695020e+00, v12;
	v8 =	vpop (erf)  }
0x8e: {  	v16 =	vsub.f32 $0.0e+00, v18;
	(erf) = vpow2.f32 v13;
	v13 =	vsub.f32 $0.0e+00, v17;
	v9 =	vpop (erf)  }
0x8f: {  	v14 =	vsub.f32 $0.0e+00, v14;
	(erf) = vpow2.f32 v10;
	v10 =	vpop (erf)  }
0x90: {  	v16 =	vmul.f32 $1.442695020e+00, v16;
	v17 =	vsub.f32 $0.0e+00, v53;
	v18 =	vmul.f32 $1.442695020e+00, v11;
	v11 =	vpop (erf)  }
0x91: {  	(erf) = vpow2.f32 v12;
	v27 =	vmul.f32 $1.442695020e+00, v13;
	v12 =	vpop (erf)  }
0x92: {  	v17 =	vmul.f32 $1.442695020e+00, v17;
	(erf) = vpow2.f32 v16;
	v13 =	vpop (erf)  }
0x93: {  	v16 =	vsub.f32 $0.0e+00, v20;
	(erf) = vpow2.f32 v18;
	v18 =	vmul.f32 $1.442695020e+00, v14;
	v14 =	vpop (erf)  }
0x94: {  	[tilespmem:$0x1FF70] =	vst v4;
	(erf) = vpow2.f32 v27;
	v4 =	vpop (erf)  }
0x95: {  	v20 =	vmul.f32 $1.442695020e+00, v16;
	(erf) = vpow2.f32 v17;
	[tilespmem:$0x1FF80] =	vst v4;
	v4 =	vpop (erf)  }
0x96: {  	v27 =	vadd.f32 $1.000000000e+00, v15;
	(erf) = vpow2.f32 v18;
	[tilespmem:$0x1FF90] =	vst v4;
	v4 =	vpop (erf)  }
0x97: {  	s31 =	simm.s32 $0x9F80;
	(erf) = vpow2.f32 v20;
	[tilespmem:$0x1FFA0] =	vst v4  }
0x98: {  	v19 =	vadd.f32 $1.000000000e+00, v19;
	(erf) = vrcp.f32 v27;
	v27 =	vld [tilespmem:s31+$0x70]  }
0x99: {  	v20 =	vadd.f32 $1.000000000e+00, v21;
	v21 =	vadd.f32 $1.000000000e+00, v22;
	v28 =	vld [tilespmem:s31+$0xFFFFFFF0]  }
0x9a: {  	v22 =	vadd.f32 $1.000000000e+00, v23;
	v23 =	vadd.f32 $1.000000000e+00, v24;
	v30 =	vld [tilespmem:s31+$0xFFFFFF90]  }
0x9b: {  	v24 =	vadd.f32 $1.000000000e+00, v25;
	v25 =	vadd.f32 $1.000000000e+00, v26;
	v18 =	vpop (erf);
	(erf) = vrcp.f32 v19;
	v26 =	vld [tilespmem:s31+$0x10]  }
0x9c: {  	v19 =	vpop (erf);
	(erf) = vrcp.f32 v20;
	v54 =	vld [tilespmem:s31+$0x20]  }
0x9d: {  	v55 =	vld [tilespmem:s31+$0x30];
	(erf) = vrcp.f32 v21  }
0x9e: {  	v6 =	vadd.f32 $1.000000000e+00, v6;
	v7 =	vadd.f32 $1.000000000e+00, v7;
	v57 =	vld [tilespmem:s31+$0xFFFFFFD0];
	v20 =	vpop (erf);
	(erf) = vrcp.f32 v22  }
0x9f: {  	v8 =	vadd.f32 $1.000000000e+00, v8;
	v9 =	vadd.f32 $1.000000000e+00, v9;
	v58 =	vld [tilespmem:s31+$0x50];
	v21 =	vpop (erf);
	(erf) = vrcp.f32 v23  }
0xa0: {  	v10 =	vadd.f32 $1.000000000e+00, v10;
	v63 =	vld [tilespmem:s31+$0x40];
	v22 =	vpop (erf);
	(erf) = vrcp.f32 v24;
	v24 =	vshll.u32 v27, $0x2  }
0xa1: {  	v48 =	vld [tilespmem:s31+$0xFFFFFFE0];
	v23 =	vpop (erf);
	(erf) = vrcp.f32 v25;
	v25 =	vand.u32 $0x7F, v27;
	v27 =	vshll.u32 v28, $0x2  }
0xa2: {  	v61 =	vshll.u32 v30, $0x2;
	v56 =	vshll.u32 v54, $0x2;
	v45 =	vand.u32 $0x7F, v26  }
0xa3: {  	v37 =	vld [tilespmem:s31+$0xFFFFFFC0];
	v59 =	vshll.u32 v55, $0x2;
	v30 =	vand.u32 $0x7F, v30;
	v32 =	vand.u32 $0x7F, v54  }
0xa4: {  	v50 =	vld [tilespmem:s31+$0x60];
	v49 =	vshll.u32 v57, $0x2;
	v34 =	vand.u32 $0x7F, v55;
	v52 =	vshll.u32 v58, $0x2  }
0xa5: {  	v40 =	vand.u32 $0x7F, v63;
	v44 =	vand.u32 $0x7F, v58;
	v43 =	vand.u32 $0x7F, v57  }
0xa6: {  	v29 =	vld [tilespmem:s31+$0x0];
	v53 =	vshll.u32 v48, $0x2;
	v48 =	vand.u32 $0x7F, v48;
	v24 =	vand.u32 $0xFFFFFE00, v24  }
0xa7: {  	v27 =	vand.u32 $0xFFFFFE00, v27;
	v36 =	vand.u32 $0xFFFFFE00, v61;
	v41 =	vand.u32 $0xFFFFFE00, v56  }
0xa8: {  	v61 =	vshll.u32 v37, $0x2;
	v49 =	vand.u32 $0xFFFFFE00, v49;
	v52 =	vand.u32 $0xFFFFFE00, v52  }
0xa9: {  	v37 =	vand.u32 $0x7F, v37;
	v56 =	vshll.u32 v50, $0x2;
	v53 =	vand.u32 $0xFFFFFE00, v53  }
0xaa: {  	v31 =	vld [tilespmem:s31+$0xFFFFFFA0];
	v50 =	vand.u32 $0x7F, v50;
	v24 =	vor.u32 v25, v24;
	v25 =	vand.u32 $0x7F, v28  }
0xab: {  	v28 =	vshll.u32 v29, $0x2;
	v29 =	vand.u32 $0x7F, v29;
	v46 =	vand.u32 $0xFFFFFE00, v61  }
0xac: {  	v33 =	vld [tilespmem:s31+$0xFFFFFFB0];
	v56 =	vand.u32 $0xFFFFFE00, v56;
	v60 =	vor.u32 $0x80, v24;
	v25 =	vor.u32 v25, v27  }
0xad: {  	v30 =	vor.u32 v30, v36;
	v32 =	vor.u32 v32, v41;
	v62 =	vor.u32 $0x180, v25  }
0xae: {  	v27 =	vshll.u32 v26, $0x2;
	v28 =	vand.u32 $0xFFFFFE00, v28;
	v37 =	vor.u32 v37, v46  }
0xaf: {  	v51 =	vld [tilespmem:s31+$0xFFFFFF80];
	v39 =	vand.u32 $0xFFFFFE00, v27;
	v27 =	vshll.u32 v31, $0x2;
	v31 =	vand.u32 $0x7F, v31  }
0xb0: {  	v29 =	vor.u32 v29, v28;
	v25 =	vor.u32 $0x100, v25;
	v42 =	vand.u32 $0xFFFFFE00, v27  }
0xb1: {  	v27 =	vshll.u32 v33, $0x2;
	v33 =	vand.u32 $0x7F, v33;
	v39 =	vor.u32 v45, v39;
	v26 =	vld.idx.msk [tilespmem:v60+s2+$0x0], $0xffff  }
0xb2: {  	v47 =	vand.u32 $0xFFFFFE00, v27;
	v31 =	vor.u32 v31, v42;
	v42 =	vor.u32 v50, v56;
	v27 =	vld.idx.msk [tilespmem:v62+s2+$0x0], $0xffff  }
0xb3: {  	v33 =	vor.u32 v33, v47;
	v57 =	vor.u32 $0x80, v42;
	v60 =	vand.u32 $0xFFFFFE00, v59  }
0xb4: {  	v62 =	vshll.u32 v63, $0x2;
	v63 =	vand.u32 $0x7F, v51;
	v51 =	vshll.u32 v51, $0x2  }
0xb5: {  	v34 =	vor.u32 v34, v60;
	v41 =	vld.idx.msk [tilespmem:v29+s2+$0x0], $0xffff;
	v29 =	vor.u32 $0x80, v29;
	v60 =	vor.u32 $0x100, v30  }
0xb6: {  	v30 =	vor.u32 $0x180, v30;
	v38 =	vand.u32 $0xFFFFFE00, v62;
	v51 =	vand.u32 $0xFFFFFE00, v51  }
0xb7: {  	v45 =	vld.idx.msk [tilespmem:v39+s2+$0x0], $0xffff;
	v39 =	vor.u32 $0x80, v39;
	v54 =	vand.u32 $0xFFFF0000, v26;
	v55 =	vand.u32 $0xFFFF0000, v27  }
0xb8: {  	v50 =	vor.u32 $0x80, v34;
	v51 =	vor.u32 v63, v51;
	v54 =	vadd.f32 v55, v54  }
0xb9: {  	v59 =	vor.u32 v40, v38;
	v38 =	vor.u32 v44, v52;
	v40 =	vor.u32 v43, v49  }
0xba: {  	v25 =	vld.idx.msk [tilespmem:v25+s2+$0x0], $0xffff;
	v43 =	vor.u32 v48, v53;
	v62 =	vor.u32 $0x100, v51;
	v54 =	vadd.f32 v54, v0  }
0xbb: {  	v48 =	vor.u32 $0x100, v31;
	v31 =	vor.u32 $0x180, v31;
	v53 =	vor.u32 $0x100, v37;
	v49 =	vld.idx.msk [tilespmem:v34+s2+$0x0], $0xffff  }
0xbc: {  	v63 =	vor.u32 $0x180, v51;
	v51 =	vor.u32 $0x100, v33;
	v29 =	vld.idx.msk [tilespmem:v29+s2+$0x0], $0xffff;
	v28 =	vsub.f32 $0.0e+00, v54  }
0xbd: {  	v33 =	vor.u32 $0x180, v33;
	v52 =	vor.u32 $0x80, v59;
	v56 =	vor.u32 $0x100, v40;
	v46 =	vld.idx.msk [tilespmem:v60+s2+$0x0], $0xffff  }
0xbe: {  	v40 =	vor.u32 $0x180, v40;
	v58 =	vor.u32 $0x100, v43;
	v34 =	vld.idx.msk [tilespmem:v59+s2+$0x0], $0xffff;
	v61 =	vmul.f32 $1.442695020e+00, v28  }
0xbf: {  	v43 =	vor.u32 $0x180, v43;
	v5 =	vshll.u32 v25, $0x10;
	v25 =	vand.u32 $0xFFFF0000, v25;
	v35 =	vld.idx.msk [tilespmem:v62+s2+$0x0], $0xffff  }
0xc0: {  	v55 =	vor.u32 $0x80, v38;
	v44 =	vshll.u32 v45, $0x10;
	v28 =	vpop (erf);
	(erf) = vpow2.f32 v61;
	v61 =	vld.idx.msk [tilespmem:v32+s2+$0x0], $0xffff  }
0xc1: {  	v45 =	vand.u32 $0xFFFF0000, v45;
	v36 =	vld.idx.msk [tilespmem:v63+s2+$0x0], $0xffff;
	v54 =	vor.u32 $0x180, v37;
	v37 =	vshll.u32 v41, $0x10  }
0xc2: {  	v38 =	vld.idx.msk [tilespmem:v38+s2+$0x0], $0xffff;
	v41 =	vand.u32 $0xFFFF0000, v41;
	v60 =	vshll.u32 v49, $0x10;
	v49 =	vand.u32 $0xFFFF0000, v49  }
0xc3: {  	v39 =	vld.idx.msk [tilespmem:v39+s2+$0x0], $0xffff;
	v62 =	vshll.u32 v29, $0x10;
	v29 =	vand.u32 $0xFFFF0000, v29;
	v4 =	vand.u32 $0xFFFF0000, v34  }
0xc4: {  	v63 =	vshll.u32 v35, $0x10;
	v35 =	vand.u32 $0xFFFF0000, v35;
	v32 =	vor.u32 $0x80, v32  }
0xc5: {  	v30 =	vld.idx.msk [tilespmem:v30+s2+$0x0], $0xffff;
	v35 =	vadd.f32 v35, v41;
	v59 =	vshll.u32 v61, $0x10;
	v47 =	vand.u32 $0xFFFF0000, v61  }
0xc6: {  	v41 =	vld.idx.msk [tilespmem:v48+s2+$0x0], $0xffff;
	v61 =	vshll.u32 v34, $0x10;
	v34 =	vadd.f32 v63, v37;
	v37 =	vshll.u32 v36, $0x10  }
0xc7: {  	v31 =	vld.idx.msk [tilespmem:v31+s2+$0x0], $0xffff;
	v48 =	vshll.u32 v38, $0x10;
	v63 =	vand.u32 $0xFFFF0000, v36;
	v36 =	vadd.f32 v37, v62  }
0xc8: {  	v50 =	vld.idx.msk [tilespmem:v50+s2+$0x0], $0xffff;
	v62 =	vshll.u32 v39, $0x10;
	v39 =	vand.u32 $0xFFFF0000, v39;
	v37 =	vadd.f32 v63, v29  }
0xc9: {  	v32 =	vld.idx.msk [tilespmem:v32+s2+$0x0], $0xffff;
	v29 =	vshll.u32 v46, $0x10;
	v63 =	vand.u32 $0xFFFF0000, v38;
	v46 =	vand.u32 $0xFFFF0000, v46  }
0xca: {  	v33 =	vld.idx.msk [tilespmem:v33+s2+$0x0], $0xffff;
	v38 =	vadd.f32 v29, v44;
	v44 =	vshll.u32 v30, $0x10;
	v30 =	vand.u32 $0xFFFF0000, v30  }
0xcb: {  	v29 =	vld.idx.msk [tilespmem:v51+s2+$0x0], $0xffff;
	v45 =	vadd.f32 v46, v45;
	v44 =	vadd.f32 v44, v62;
	v62 =	vshll.u32 v41, $0x10  }
0xcc: {  	v51 =	vld.idx.msk [tilespmem:v52+s2+$0x0], $0xffff;
	v41 =	vand.u32 $0xFFFF0000, v41;
	v39 =	vadd.f32 v30, v39;
	v30 =	vshll.u32 v31, $0x10  }
0xcd: {  	v55 =	vld.idx.msk [tilespmem:v55+s2+$0x0], $0xffff;
	v31 =	vand.u32 $0xFFFF0000, v31;
	v52 =	vadd.f32 v62, v59;
	v59 =	vshll.u32 v50, $0x10  }
0xce: {  	v56 =	vld.idx.msk [tilespmem:v56+s2+$0x0], $0xffff;
	v50 =	vand.u32 $0xFFFF0000, v50;
	v41 =	vadd.f32 v41, v47;
	v46 =	vshll.u32 v32, $0x10  }
0xcf: {  	v53 =	vld.idx.msk [tilespmem:v53+s2+$0x0], $0xffff;
	v32 =	vand.u32 $0xFFFF0000, v32;
	v46 =	vadd.f32 v30, v46;
	v30 =	vshll.u32 v33, $0x10  }
0xd0: {  	v54 =	vld.idx.msk [tilespmem:v54+s2+$0x0], $0xffff;
	v33 =	vand.u32 $0xFFFF0000, v33;
	v62 =	vadd.f32 v31, v32;
	v47 =	vshll.u32 v29, $0x10  }
0xd1: {  	v42 =	vld.idx.msk [tilespmem:v42+s2+$0x0], $0xffff;
	v29 =	vand.u32 $0xFFFF0000, v29;
	v31 =	vshll.u32 v51, $0x10;
	v32 =	vand.u32 $0xFFFF0000, v51  }
0xd2: {  	v40 =	vld.idx.msk [tilespmem:v40+s2+$0x0], $0xffff;
	v59 =	vadd.f32 v30, v59;
	v30 =	vshll.u32 v55, $0x10;
	v55 =	vand.u32 $0xFFFF0000, v55  }
0xd3: {  	v50 =	vadd.f32 v33, v50;
	v33 =	vshll.u32 v56, $0x10;
	v56 =	vand.u32 $0xFFFF0000, v56  }
0xd4: {  	v58 =	vld.idx.msk [tilespmem:v58+s2+$0x0], $0xffff;
	v47 =	vadd.f32 v47, v60;
	v60 =	vshll.u32 v53, $0x10;
	v53 =	vand.u32 $0xFFFF0000, v53  }
0xd5: {  	v57 =	vld.idx.msk [tilespmem:v57+s2+$0x0], $0xffff;
	v49 =	vadd.f32 v29, v49;
	v29 =	vshll.u32 v54, $0x10;
	v54 =	vand.u32 $0xFFFF0000, v54  }
0xd6: {  	v43 =	vld.idx.msk [tilespmem:v43+s2+$0x0], $0xffff;
	v48 =	vadd.f32 v33, v48;
	v63 =	vadd.f32 v56, v63;
	v33 =	vshll.u32 v42, $0x10  }
0xd7: {  	v42 =	vand.u32 $0xFFFF0000, v42;
	v51 =	vadd.f32 v60, v61;
	v60 =	vshll.u32 v40, $0x10;
	v61 =	vld.idx.msk [tilespmem:v24+s2+$0x0], $0xffff  }
0xd8: {  	v15 =	vadd.f32 v53, v4;
	v40 =	vand.u32 $0xFFFF0000, v40;
	v24 =	vadd.f32 v29, v31;
	v53 =	vpop (erf)  }
0xd9: {  	v29 =	vadd.f32 v54, v32;
	v31 =	vshll.u32 v58, $0x10;
	v32 =	vand.u32 $0xFFFF0000, v58;
	v54 =	vpop (erf)  }
0xda: {  	v40 =	vadd.f32 v40, v55;
	v55 =	vadd.f32 v31, v33;
	v31 =	vshll.u32 v57, $0x10;
	v58 =	vpop (erf)  }
0xdb: {  	v42 =	vadd.f32 v32, v42;
	v32 =	vshll.u32 v43, $0x10;
	v43 =	vand.u32 $0xFFFF0000, v43;
	v56 =	vpop (erf)  }
0xdc: {  	v60 =	vadd.f32 v60, v30;
	v57 =	vand.u32 $0xFFFF0000, v57;
	v33 =	vshll.u32 v61, $0x10;
	v30 =	vpop (erf)  }
0xdd: {  	v32 =	vadd.f32 v32, v31;
	v57 =	vadd.f32 v43, v57;
	v61 =	vand.u32 $0xFFFF0000, v61;
	v31 =	vpop (erf)  }
0xde: {  	v4 =	vld [tilespmem:$0x1FF70];
	v61 =	vadd.f32 v25, v61;
	v25 =	vshll.u32 v26, $0x10;
	v26 =	vshll.u32 v27, $0x10;
	v43 =	vpop (erf)  }
0xdf: {  	v11 =	vadd.f32 $1.000000000e+00, v11;
	v16 =	vadd.f32 v5, v33;
	v33 =	vpop (erf)  }
0xe0: {  	v12 =	vadd.f32 $1.000000000e+00, v12;
	v18 =	vadd.f32 $1.000000000e+00, v18;
	v27 =	vpop (erf)  }
0xe1: {  	v50 =	vadd.f32 v50, v0;
	v17 =	vadd.f32 v26, v25;
	v26 =	vpop (erf)  }
0xe2: {  	v48 =	vadd.f32 v48, v1;
	v51 =	vadd.f32 v51, v1;
	v25 =	vpop (erf)  }
0xe3: {  	v15 =	vadd.f32 v15, v2;
	v5 =	vadd.f32 $1.000000000e+00, v4;
	v4 =	vpop (erf)  }
0xe4: {  	v24 =	vadd.f32 v24, v3;
	v4 =	vadd.f32 $1.000000000e+00, v4  }
0xe5: {  	v29 =	vadd.f32 v29, v0;
	v60 =	vadd.f32 v60, v3  }
0xe6: {  	v40 =	vadd.f32 v40, v0;
	v15 =	vsub.f32 $0.0e+00, v15;
	(erf) = vrcp.f32 v4  }
0xe7: {  	v55 =	vadd.f32 v55, v1;
	v24 =	vsub.f32 $0.0e+00, v24;
	(erf) = vrcp.f32 v5  }
0xe8: {  	v29 =	vsub.f32 $0.0e+00, v29;
	v15 =	vmul.f32 $1.442695020e+00, v15;
	(erf) = vrcp.f32 v6  }
0xe9: {  	v4 =	vadd.f32 $1.000000000e+00, v13;
	v13 =	vadd.f32 $1.000000000e+00, v14;
	v14 =	vld [tilespmem:$0x1FF90];
	(erf) = vrcp.f32 v7  }
0xea: {  	v24 =	vmul.f32 $1.442695020e+00, v24;
	v16 =	vadd.f32 v16, v1;
	v5 =	vld [tilespmem:$0x1FF80];
	(erf) = vrcp.f32 v8  }
0xeb: {  	v42 =	vadd.f32 v42, v2;
	v29 =	vmul.f32 $1.442695020e+00, v29;
	(erf) = vrcp.f32 v9  }
0xec: {  	v16 =	vsub.f32 $0.0e+00, v16;
	v6 =	vld [tilespmem:$0x1FFA0];
	v7 =	vadd.f32 $1.000000000e+00, v19;
	(erf) = vrcp.f32 v10  }
0xed: {  	v19 =	vadd.f32 $1.000000000e+00, v20;
	v20 =	vadd.f32 $1.000000000e+00, v22;
	(erf) = vrcp.f32 v11  }
0xee: {  	v22 =	vadd.f32 v34, v1;
	v34 =	vadd.f32 v45, v2;
	(erf) = vrcp.f32 v12  }
0xef: {  	v14 =	vadd.f32 $1.000000000e+00, v14;
	v5 =	vadd.f32 $1.000000000e+00, v5;
	(erf) = vrcp.f32 v4  }
0xf0: {  	v8 =	vadd.f32 $1.000000000e+00, v21;
	v21 =	vadd.f32 $1.000000000e+00, v28;
	(erf) = vrcp.f32 v13  }
0xf1: {  	v28 =	vadd.f32 v38, v1;
	v6 =	vadd.f32 $1.000000000e+00, v6;
	(erf) = vrcp.f32 v5  }
0xf2: {  	v38 =	vadd.f32 v41, v2;
	v12 =	vadd.f32 v37, v0;
	v37 =	vpop (erf);
	(erf) = vrcp.f32 v14  }
0xf3: {  	v41 =	vadd.f32 v62, v0;
	v9 =	vadd.f32 $1.000000000e+00, v23;
	v14 =	vpop (erf);
	(erf) = vrcp.f32 v6  }
0xf4: {  	v23 =	vadd.f32 v36, v3;
	v13 =	vadd.f32 v39, v0;
	v45 =	vpop (erf);
	(erf) = vrcp.f32 v18  }
0xf5: {  	v39 =	vadd.f32 v46, v3;
	v46 =	vadd.f32 v49, v2;
	v49 =	vpop (erf);
	(erf) = vrcp.f32 v7  }
0xf6: {  	v36 =	vadd.f32 v52, v1;
	v10 =	vadd.f32 $1.000000000e+00, v53;
	v52 =	vpop (erf);
	(erf) = vrcp.f32 v19  }
0xf7: {  	v11 =	vadd.f32 v35, v2;
	v35 =	vadd.f32 v44, v3;
	v53 =	vpop (erf);
	(erf) = vrcp.f32 v8  }
0xf8: {  	v44 =	vadd.f32 v47, v1;
	v47 =	vadd.f32 v59, v3;
	v59 =	vpop (erf);
	(erf) = vrcp.f32 v20  }
0xf9: {  	v62 =	vadd.f32 v63, v2;
	v6 =	vsub.f32 $0.0e+00, v22;
	v20 =	vpop (erf);
	(erf) = vrcp.f32 v9  }
0xfa: {  	v63 =	vsub.f32 $0.0e+00, v51;
	v8 =	vsub.f32 $0.0e+00, v11;
	v5 =	vpop (erf);
	(erf) = vrcp.f32 v21  }
0xfb: {  	v6 =	vmul.f32 $1.442695020e+00, v6;
	v4 =	vpop (erf);
	(erf) = vrcp.f32 v10;
	v10 =	vsub.f32 $0.0e+00, v23  }
0xfc: {  	v41 =	vsub.f32 $0.0e+00, v41;
	v11 =	vsub.f32 $0.0e+00, v12;
	v8 =	vmul.f32 $1.442695020e+00, v8  }
0xfd: {  	v18 =	vsub.f32 $0.0e+00, v28;
	v7 =	vpop (erf);
	(erf) = vpow2.f32 v6;
	v10 =	vmul.f32 $1.442695020e+00, v10  }
0xfe: {  	v11 =	vmul.f32 $1.442695020e+00, v11;
	v9 =	vpop (erf);
	(erf) = vpow2.f32 v8;
	v8 =	vsub.f32 $0.0e+00, v34  }
0xff: {  	[tilespmem:$0x1FFB0] =	vst v0;
	v19 =	vmul.f32 $1.442695020e+00, v18;
	v6 =	vpop (erf);
	(erf) = vpow2.f32 v10;
	v10 =	vsub.f32 $0.0e+00, v35  }
0x100: {  	[tilespmem:$0x1FFC0] =	vst v1;
	v12 =	vpop (erf);
	v8 =	vmul.f32 $1.442695020e+00, v8;
	(erf) = vpow2.f32 v11;
	v11 =	vsub.f32 $0.0e+00, v13  }
0x101: {  	[tilespmem:$0x1FFD0] =	vst v2;
	v22 =	vadd.f32 v57, v0;
	v57 =	vsub.f32 $0.0e+00, v44;
	v10 =	vmul.f32 $1.442695020e+00, v10  }
0x102: {  	s16 =	simm.s32 $0xC700;
	[tilespmem:$0x1FFE0] =	vst v3;
	v44 =	vmul.f32 $1.442695020e+00, v41;
	v28 =	vsub.f32 $0.0e+00, v38;
	v18 =	vpop (erf);
	v11 =	vmul.f32 $1.442695020e+00, v11  }
0x103: {  	v21 =	vadd.f32 v32, v3;
	v32 =	vsub.f32 $0.0e+00, v39;
	v39 =	vld [tilespmem:$0x1FFF0];
	[tilespmem:s16+$0xFFFFFF00] =	vst v56;
	(erf) = vpow2.f32 v19;
	v19 =	vpop (erf)  }
0x104: {  	v38 =	vmul.f32 $1.442695020e+00, v63;
	[tilespmem:s16+$0xFFFFFF80] =	vst v30;
	v23 =	vsub.f32 $0.0e+00, v36;
	(erf) = vpow2.f32 v8;
	v8 =	vpop (erf)  }
0x105: {  	v22 =	vsub.f32 $0.0e+00, v22;
	v28 =	vmul.f32 $1.442695020e+00, v28;
	[tilespmem:s16+$0x0] =	vst v31;
	(erf) = vpow2.f32 v10;
	v10 =	vpop (erf)  }
0x106: {  	v30 =	vsub.f32 $0.0e+00, v50;
	[tilespmem:s16+$0x90] =	vst v25;
	v23 =	vmul.f32 $1.442695020e+00, v23;
	(erf) = vpow2.f32 v11;
	v11 =	vpop (erf)  }
0x107: {  	v25 =	vsub.f32 $0.0e+00, v60;
	[tilespmem:s16+$0x30] =	vst v20;
	v20 =	vmul.f32 $1.442695020e+00, v22;
	v31 =	vmul.f32 $1.442695020e+00, v32;
	v34 =	vpop (erf)  }
0x108: {  	[tilespmem:s16+$0xFFFFFF10] =	vst v33;
	v60 =	vmul.f32 $1.442695020e+00, v16;
	(erf) = vpow2.f32 v23;
	v23 =	vsub.f32 $0.0e+00, v46;
	v33 =	vpop (erf)  }
0x109: {  	v17 =	vadd.f32 v17, v3;
	[tilespmem:s16+$0x80] =	vst v43;
	v30 =	vmul.f32 $1.442695020e+00, v30;
	v35 =	vmul.f32 $1.442695020e+00, v57;
	v0 =	vpop (erf)  }
0x10a: {  	[tilespmem:s16+$0x10] =	vst v26;
	v26 =	vsub.f32 $0.0e+00, v62;
	v23 =	vmul.f32 $1.442695020e+00, v23;
	(erf) = vpow2.f32 v28;
	v28 =	vpop (erf)  }
0x10b: {  	s17 =	simm.s32 $0xC900;
	[tilespmem:s16+$0xFFFFFF90] =	vst v27;
	v13 =	vadd.f32 v61, v2;
	v61 =	vsub.f32 $0.0e+00, v47;
	(erf) = vpow2.f32 v31;
	v31 =	vpop (erf)  }
0x10c: {  	[tilespmem:s17+$0xF0] =	vst v37;
	v26 =	vmul.f32 $1.442695020e+00, v26;
	v46 =	vsub.f32 $0.0e+00, v48;
	(erf) = vpow2.f32 v44;
	v48 =	vpop (erf)  }
0x10d: {  	[tilespmem:s16+$0xFFFFFF20] =	vst v14;
	v14 =	vsub.f32 $0.0e+00, v55;
	v36 =	vmul.f32 $1.442695020e+00, v61;
	(erf) = vpow2.f32 v35;
	v50 =	vpop (erf)  }
0x10e: {  	[tilespmem:s16+$0xFFFFFFA0] =	vst v45;
	v55 =	vmul.f32 $1.442695020e+00, v25;
	v21 =	vsub.f32 $0.0e+00, v21;
	(erf) = vpow2.f32 v23;
	v23 =	vpop (erf)  }
0x10f: {  	v51 =	vsub.f32 $0.0e+00, v42;
	[tilespmem:s16+$0x20] =	vst v49;
	v14 =	vmul.f32 $1.442695020e+00, v14;
	(erf) = vpow2.f32 v36;
	v56 =	vpop (erf)  }
0x110: {  	[tilespmem:s16+$0xA0] =	vst v52;
	v21 =	vmul.f32 $1.442695020e+00, v21;
	v47 =	vsub.f32 $0.0e+00, v40;
	(erf) = vpow2.f32 v30;
	v30 =	vpop (erf)  }
0x111: {  	[tilespmem:s16+$0xFFFFFF30] =	vst v53;
	v40 =	vmul.f32 $1.442695020e+00, v51;
	v13 =	vsub.f32 $0.0e+00, v13;
	(erf) = vpow2.f32 v38;
	v57 =	vpop (erf)  }
0x112: {  	v17 =	vsub.f32 $0.0e+00, v17;
	[tilespmem:s16+$0xFFFFFFB0] =	vst v59;
	v37 =	vmul.f32 $1.442695020e+00, v47;
	(erf) = vpow2.f32 v15;
	v15 =	vpop (erf)  }
0x113: {  	[tilespmem:s16+$0xF0] =	vst v39;
	v39 =	vmul.f32 $1.442695020e+00, v46;
	(erf) = vpow2.f32 v24;
	v22 =	vpop (erf)  }
0x114: {  	[tilespmem:s16+$0xB0] =	vst v5;
	v61 =	vmul.f32 $1.442695020e+00, v17;
	(erf) = vpow2.f32 v29;
	v16 =	vpop (erf)  }
0x115: {  	v45 =	vadd.f32 $1.000000000e+00, v54;
	[tilespmem:s16+$0xFFFFFF40] =	vst v4;
	v29 =	vmul.f32 $1.442695020e+00, v13;
	(erf) = vpow2.f32 v39;
	v13 =	vpop (erf)  }
0x116: {  	[tilespmem:s16+$0xFFFFFFC0] =	vst v7;
	v44 =	vadd.f32 $1.000000000e+00, v58;
	v62 =	vadd.f32 $1.000000000e+00, v28;
	(erf) = vpow2.f32 v26;
	v17 =	vpop (erf)  }
0x117: {  	[tilespmem:s16+$0x40] =	vst v9;
	v25 =	vadd.f32 $1.000000000e+00, v48;
	v28 =	vadd.f32 $1.000000000e+00, v50;
	(erf) = vpow2.f32 v55;
	v9 =	vpop (erf)  }
0x118: {  	[tilespmem:s16+$0xC0] =	vst v6;
	v23 =	vadd.f32 $1.000000000e+00, v23;
	v26 =	vadd.f32 $1.000000000e+00, v31;
	(erf) = vpow2.f32 v37;
	v31 =	vpop (erf)  }
0x119: {  	[tilespmem:s16+$0xFFFFFF50] =	vst v12;
	v6 =	vadd.f32 $1.000000000e+00, v30;
	v24 =	vadd.f32 $1.000000000e+00, v56;
	(erf) = vpow2.f32 v14;
	v12 =	vpop (erf)  }
0x11a: {  	[tilespmem:s16+$0xFFFFFFD0] =	vst v18;
	v7 =	vadd.f32 $1.000000000e+00, v57;
	v18 =	vadd.f32 $1.000000000e+00, v15;
	(erf) = vpow2.f32 v40;
	v14 =	vpop (erf)  }
0x11b: {  	[tilespmem:s16+$0x50] =	vst v19;
	v22 =	vadd.f32 $1.000000000e+00, v22;
	v19 =	vadd.f32 $1.000000000e+00, v16;
	(erf) = vpow2.f32 v21;
	v30 =	vpop (erf)  }
0x11c: {  	[tilespmem:s16+$0xD0] =	vst v8;
	v16 =	vadd.f32 $1.000000000e+00, v17;
	v15 =	vadd.f32 $1.000000000e+00, v31;
	(erf) = vpow2.f32 v20;
	v8 =	vpop (erf)  }
0x11d: {  	[tilespmem:s16+$0xFFFFFF60] =	vst v10;
	v21 =	vadd.f32 $1.000000000e+00, v13;
	v20 =	vadd.f32 $1.000000000e+00, v9;
	(erf) = vpow2.f32 v60;
	v9 =	vpop (erf)  }
0x11e: {  	[tilespmem:s16+$0xFFFFFFE0] =	vst v11;
	v17 =	vadd.f32 $1.000000000e+00, v12;
	v13 =	vadd.f32 $1.000000000e+00, v14;
	(erf) = vpow2.f32 v29;
	v63 =	vpop (erf)  }
0x11f: {  	[tilespmem:s16+$0x60] =	vst v34;
	v14 =	vadd.f32 $1.000000000e+00, v30;
	v12 =	vadd.f32 $1.000000000e+00, v8;
	(erf) = vpow2.f32 v61;
	v8 =	vpop (erf)  }
0x120: {  	[tilespmem:s16+$0xE0] =	vst v33;
	v10 =	vadd.f32 $1.000000000e+00, v9;
	v27 =	vadd.f32 $1.000000000e+00, v63;
	(erf) = vrcp.f32 v62;
	v29 =	vpop (erf)  }
0x121: {  	s19 =	simm.s32 $0x8;
	s20 =	simm.s32 $0xA080;
	s18 =	simm.s32 $0xC900;
	[tilespmem:s16+$0xFFFFFF70] =	vst v0;
	v11 =	vadd.f32 $1.000000000e+00, v8;
	(erf) = vrcp.f32 v26;
	v9 =	vadd.f32 $1.000000000e+00, v29;
	v26 =	vpop (erf)  }
.LBB2_2:
0x122: {  	v29 =	vld [tilespmem:s20+$0x70]  }
0x123: {  	v30 =	vld [tilespmem:s20+$0xFFFFFFF0]  }
0x124: {  	v31 =	vld [tilespmem:s20+$0x0]  }
0x125: {  	v32 =	vld [tilespmem:s20+$0xFFFFFF90];
	(erf) = vrcp.f32 v25;
	v25 =	vpop (erf)  }
0x126: {  	v33 =	vld [tilespmem:s20+$0x10];
	v0 =	vadd.f32 $1.000000000e+00, v25;
	(erf) = vrcp.f32 v28;
	v25 =	vpop (erf)  }
0x127: {  	v34 =	vld [tilespmem:s20+$0xFFFFFFA0];
	(erf) = vrcp.f32 v23;
	v23 =	vpop (erf)  }
0x128: {  	v36 =	vld [tilespmem:s20+$0x20];
	v2 =	vadd.f32 $1.000000000e+00, v23;
	v23 =	vpop (erf)  }
0x129: {  	(erf) = vrcp.f32 v24;
	v1 =	vadd.f32 $1.000000000e+00, v23  }
0x12a: {  	(erf) = vrcp.f32 v6;
	v35 =	vshll.u32 v29, $0x2;
	v29 =	vand.u32 $0x7F, v29  }
0x12b: {  	v51 =	vshll.u32 v30, $0x2;
	v30 =	vand.u32 $0x7F, v30;
	v39 =	vshll.u32 v31, $0x2  }
0x12c: {  	v38 =	vld [tilespmem:s20+$0xFFFFFFB0];
	v55 =	vshll.u32 v33, $0x2;
	v42 =	vshll.u32 v32, $0x2;
	v58 =	vshll.u32 v34, $0x2  }
0x12d: {  	v40 =	vld [tilespmem:s20+$0x30];
	v47 =	vshll.u32 v36, $0x2;
	v31 =	vand.u32 $0x7F, v31;
	v33 =	vand.u32 $0x7F, v33  }
0x12e: {  	v46 =	vld [tilespmem:s20+$0x40];
	v6 =	vpop (erf);
	v32 =	vand.u32 $0x7F, v32;
	v36 =	vand.u32 $0x7F, v36;
	v34 =	vand.u32 $0x7F, v34  }
0x12f: {  	v48 =	vld [tilespmem:s20+$0xFFFFFFD0];
	v24 =	vadd.f32 $1.000000000e+00, v6;
	(erf) = vrcp.f32 v7;
	v50 =	vand.u32 $0xFFFFFE00, v35  }
0x130: {  	v53 =	vand.u32 $0xFFFFFE00, v51;
	v39 =	vand.u32 $0xFFFFFE00, v39;
	v42 =	vand.u32 $0xFFFFFE00, v42  }
0x131: {  	v28 =	vmovc v45;
	v45 =	vand.u32 $0xFFFFFE00, v58;
	v47 =	vand.u32 $0xFFFFFE00, v47;
	v29 =	vor.u32 v29, v50  }
0x132: {  	v43 =	vld [tilespmem:s20+$0xFFFFFFC0];
	v49 =	vpop (erf);
	v51 =	vshll.u32 v40, $0x2;
	v30 =	vor.u32 v30, v53;
	v41 =	vor.u32 $0x80, v29  }
0x133: {  	v40 =	vand.u32 $0x7F, v40;
	[tilespmem:$0x1FF50] =	vst v49;
	v49 =	vshll.u32 v38, $0x2;
	v56 =	vor.u32 $0x180, v30  }
0x134: {  	[tilespmem:$0x1FF30] =	vst v1;
	v51 =	vand.u32 $0xFFFFFE00, v51;
	v53 =	vshll.u32 v46, $0x2;
	v1 =	vshll.u32 v48, $0x2  }
0x135: {  	v38 =	vand.u32 $0x7F, v38;
	v46 =	vand.u32 $0x7F, v46;
	v48 =	vand.u32 $0x7F, v48  }
0x136: {  	[tilespmem:$0x1FF40] =	vst v44;
	v52 =	vpop (erf);
	v50 =	vld [tilespmem:s20+$0x50];
	v31 =	vor.u32 v31, v39;
	v32 =	vor.u32 v32, v42;
	v36 =	vor.u32 v36, v47  }
0x137: {  	v23 =	vmovc v11;
	v34 =	vor.u32 v34, v45;
	[tilespmem:$0x1FF60] =	vst v52;
	v49 =	vand.u32 $0xFFFFFE00, v49;
	v52 =	vshll.u32 v43, $0x2;
	v41 =	vld.idx.msk [tilespmem:v41+s2+$0x0], $0xffff  }
0x138: {  	[tilespmem:$0x1FF10] =	vst v0;
	v37 =	vpop (erf);
	v0 =	vand.u32 $0xFFFFFE00, v53;
	v53 =	vand.u32 $0xFFFFFE00, v1;
	v43 =	vand.u32 $0x7F, v43;
	v44 =	vld.idx.msk [tilespmem:v56+s2+$0x0], $0xffff  }
0x139: {  	v11 =	vld [tilespmem:$0x1FFB0];
	v40 =	vor.u32 v40, v51;
	v51 =	vor.u32 $0x180, v32;
	v30 =	vor.u32 $0x100, v30;
	[tilespmem:s17+$0xFFFFFF00] =	vst v37;
	v54 =	vpop (erf)  }
0x13a: {  	v37 =	vand.u32 $0xFFFFFE00, v55;
	v52 =	vand.u32 $0xFFFFFE00, v52;
	v55 =	vld [tilespmem:s20+$0x60];
	v38 =	vor.u32 v38, v49;
	[tilespmem:s17+$0xFFFFFF80] =	vst v54;
	v57 =	vpop (erf)  }
0x13b: {  	v35 =	vor.u32 v46, v0;
	v46 =	vor.u32 v48, v53;
	v53 =	vor.u32 $0x100, v34;
	v54 =	vld [tilespmem:s20+$0xFFFFFFE0];
	[tilespmem:s17+$0x0] =	vst v57;
	v59 =	vpop (erf)  }
0x13c: {  	v34 =	vor.u32 $0x180, v34;
	v37 =	vor.u32 v33, v37;
	v43 =	vor.u32 v43, v52;
	[tilespmem:s17+$0x80] =	vst v59;
	v60 =	vpop (erf)  }
0x13d: {  	v57 =	vshll.u32 v50, $0x2;
	v52 =	vld.idx.msk [tilespmem:v36+s2+$0x0], $0xffff;
	[tilespmem:s17+$0xFFFFFF10] =	vst v60;
	v59 =	vand.u32 $0xFFFF0000, v41;
	v60 =	vand.u32 $0xFFFF0000, v44  }
0x13e: {  	v50 =	vand.u32 $0x7F, v50;
	v36 =	vor.u32 $0x80, v36;
	v61 =	vpop (erf);
	v56 =	vld [tilespmem:s20+$0xFFFFFF80];
	v59 =	vadd.f32 v60, v59  }
0x13f: {  	v57 =	vand.u32 $0xFFFFFE00, v57;
	v47 =	vld.idx.msk [tilespmem:v31+s2+$0x0], $0xffff;
	v31 =	vor.u32 $0x80, v31;
	[tilespmem:s17+$0xFFFFFF90] =	vst v61;
	v61 =	vshll.u32 v55, $0x2  }
0x140: {  	v62 =	vpop (erf);
	v55 =	vand.u32 $0x7F, v55;
	v58 =	vshll.u32 v54, $0x2;
	v59 =	vadd.f32 v59, v11  }
0x141: {  	[tilespmem:$0x1FF20] =	vst v2;
	v29 =	vld.idx.msk [tilespmem:v29+s2+$0x0], $0xffff;
	v63 =	vpop (erf);
	v61 =	vand.u32 $0xFFFFFE00, v61;
	v54 =	vand.u32 $0x7F, v54;
	v58 =	vand.u32 $0xFFFFFE00, v58  }
0x142: {  	v53 =	vld.idx.msk [tilespmem:v53+s2+$0x0], $0xffff;
	[tilespmem:s17+$0x90] =	vst v63;
	v63 =	vor.u32 v50, v57;
	v33 =	vor.u32 v55, v61;
	v60 =	vsub.f32 $0.0e+00, v59  }
0x143: {  	[tilespmem:s17+$0x10] =	vst v62;
	v0 =	vor.u32 v54, v58;
	v54 =	vld.idx.msk [tilespmem:v40+s2+$0x0], $0xffff;
	v2 =	vand.u32 $0x7F, v56;
	v56 =	vshll.u32 v56, $0x2  }
0x144: {  	v55 =	vor.u32 $0x100, v38;
	v51 =	vld.idx.msk [tilespmem:v51+s2+$0x0], $0xffff;
	v56 =	vand.u32 $0xFFFFFE00, v56;
	v62 =	vmul.f32 $1.442695020e+00, v60  }
0x145: {  	v38 =	vor.u32 $0x180, v38;
	v3 =	vor.u32 v2, v56;
	v2 =	vld.idx.msk [tilespmem:v37+s2+$0x0], $0xffff;
	v37 =	vor.u32 $0x80, v37  }
0x146: {  	v34 =	vld.idx.msk [tilespmem:v34+s2+$0x0], $0xffff;
	v57 =	vor.u32 $0x100, v43;
	v39 =	vor.u32 $0x180, v3;
	(erf) = vpow2.f32 v62  }
0x147: {  	v40 =	vor.u32 $0x80, v40;
	v45 =	vor.u32 $0x80, v63;
	v61 =	vor.u32 $0x80, v33;
	v56 =	vld.idx.msk [tilespmem:v35+s2+$0x0], $0xffff  }
0x148: {  	v48 =	vor.u32 $0x180, v0;
	v1 =	vor.u32 $0x100, v3;
	v3 =	vor.u32 $0x100, v32;
	v58 =	vld.idx.msk [tilespmem:v63+s2+$0x0], $0xffff  }
0x149: {  	v63 =	vshll.u32 v47, $0x10;
	v32 =	vshll.u32 v44, $0x10;
	v4 =	vshll.u32 v54, $0x10;
	v59 =	vld.idx.msk [tilespmem:v31+s2+$0x0], $0xffff  }
0x14a: {  	v54 =	vand.u32 $0xFFFF0000, v54;
	v8 =	vshll.u32 v51, $0x10;
	v51 =	vand.u32 $0xFFFF0000, v51;
	v37 =	vld.idx.msk [tilespmem:v37+s2+$0x0], $0xffff  }
0x14b: {  	v31 =	vshll.u32 v41, $0x10;
	v41 =	vand.u32 $0xFFFF0000, v47;
	v60 =	vor.u32 $0x100, v46;
	v39 =	vld.idx.msk [tilespmem:v39+s2+$0x0], $0xffff  }
0x14c: {  	v36 =	vld.idx.msk [tilespmem:v36+s2+$0x0], $0xffff;
	v46 =	vor.u32 $0x180, v46;
	v44 =	vshll.u32 v2, $0x10;
	v47 =	vand.u32 $0xFFFF0000, v2  }
0x14d: {  	v7 =	vmovc v27;
	v38 =	vld.idx.msk [tilespmem:v38+s2+$0x0], $0xffff;
	v27 =	vshll.u32 v56, $0x10;
	v56 =	vand.u32 $0xFFFF0000, v56;
	v2 =	vshll.u32 v58, $0x10  }
0x14e: {  	v57 =	vld.idx.msk [tilespmem:v57+s2+$0x0], $0xffff;
	v58 =	vand.u32 $0xFFFF0000, v58;
	v62 =	vor.u32 $0x100, v0;
	v0 =	vshll.u32 v52, $0x10  }
0x14f: {  	v50 =	vld.idx.msk [tilespmem:v3+s2+$0x0], $0xffff;
	v5 =	vshll.u32 v59, $0x10;
	v59 =	vand.u32 $0xFFFF0000, v59;
	v3 =	vshll.u32 v37, $0x10;
	v49 =	vpop (erf)  }
0x150: {  	v42 =	vld.idx.msk [tilespmem:v1+s2+$0x0], $0xffff;
	v37 =	vand.u32 $0xFFFF0000, v37;
	v1 =	vshll.u32 v39, $0x10;
	v49 =	vadd.f32 $1.000000000e+00, v49  }
0x151: {  	v39 =	vand.u32 $0xFFFF0000, v39;
	v3 =	vadd.f32 v8, v3;
	v37 =	vadd.f32 v51, v37;
	v51 =	vld.idx.msk [tilespmem:v60+s2+$0x0], $0xffff  }
0x152: {  	v8 =	vshll.u32 v38, $0x10;
	v60 =	vld.idx.msk [tilespmem:v61+s2+$0x0], $0xffff;
	v61 =	vshll.u32 v29, $0x10;
	(erf) = vrcp.f32 v49  }
0x153: {  	v30 =	vld.idx.msk [tilespmem:v30+s2+$0x0], $0xffff;
	v1 =	vadd.f32 v1, v5;
	v5 =	vshll.u32 v53, $0x10;
	v39 =	vadd.f32 v39, v59  }
0x154: {  	v40 =	vld.idx.msk [tilespmem:v40+s2+$0x0], $0xffff;
	v59 =	vshll.u32 v34, $0x10;
	v34 =	vand.u32 $0xFFFF0000, v34;
	v0 =	vadd.f32 v5, v0  }
0x155: {  	v55 =	vld.idx.msk [tilespmem:v55+s2+$0x0], $0xffff;
	v5 =	vshll.u32 v57, $0x10;
	v57 =	vand.u32 $0xFFFF0000, v57;
	v49 =	vshll.u32 v42, $0x10  }
0x156: {  	v46 =	vld.idx.msk [tilespmem:v46+s2+$0x0], $0xffff;
	v56 =	vadd.f32 v57, v56;
	v42 =	vand.u32 $0xFFFF0000, v42;
	v49 =	vadd.f32 v49, v63  }
0x157: {  	v41 =	vadd.f32 v42, v41;
	v42 =	vshll.u32 v36, $0x10;
	v36 =	vand.u32 $0xFFFF0000, v36  }
0x158: {  	v63 =	vshll.u32 v50, $0x10;
	v50 =	vand.u32 $0xFFFF0000, v50;
	v34 =	vadd.f32 v34, v36;
	v36 =	vld.idx.msk [tilespmem:v48+s2+$0x0], $0xffff  }
0x159: {  	v44 =	vadd.f32 v63, v44;
	v63 =	vshll.u32 v40, $0x10;
	v40 =	vand.u32 $0xFFFF0000, v40  }
0x15a: {  	v6 =	vmovc v9;
	v47 =	vadd.f32 v50, v47;
	v50 =	vshll.u32 v55, $0x10;
	v55 =	vand.u32 $0xFFFF0000, v55  }
0x15b: {  	s17 =	sadd.s32 $0x200, s17;
	v42 =	vadd.f32 v59, v42;
	v59 =	vld.idx.msk [tilespmem:v62+s2+$0x0], $0xffff;
	v48 =	vshll.u32 v30, $0x10;
	v62 =	vshll.u32 v46, $0x10;
	v9 =	vpop (erf)  }
0x15c: {  	v4 =	vadd.f32 v50, v4;
	v54 =	vadd.f32 v55, v54;
	[tilespmem:s17+$0xF0] =	vst v9;
	v9 =	vand.u32 $0xFFFF0000, v38;
	v38 =	vld.idx.msk [tilespmem:v45+s2+$0x0], $0xffff  }
0x15d: {  	v55 =	vshll.u32 v51, $0x10;
	v57 =	vshll.u32 v36, $0x10;
	(erf) = vrcp.f32 v18  }
0x15e: {  	v36 =	vand.u32 $0xFFFF0000, v36;
	(erf) = vrcp.f32 v22;
	v9 =	vadd.f32 v9, v40  }
0x15f: {  	v40 =	vshll.u32 v60, $0x10;
	v60 =	vand.u32 $0xFFFF0000, v60;
	(erf) = vrcp.f32 v19  }
0x160: {  	v51 =	vand.u32 $0xFFFF0000, v51;
	(erf) = vrcp.f32 v21;
	v21 =	vadd.f32 v36, v60  }
0x161: {  	v60 =	vadd.f32 v48, v61;
	v61 =	vld [tilespmem:$0x1FFC0];
	(erf) = vrcp.f32 v16;
	v50 =	vshll.u32 v38, $0x10  }
0x162: {  	v18 =	vadd.f32 v51, v58;
	(erf) = vrcp.f32 v20;
	v58 =	vadd.f32 v62, v50;
	v62 =	vld [tilespmem:$0x1FFD0]  }
0x163: {  	v43 =	vor.u32 $0x180, v43;
	(erf) = vrcp.f32 v15  }
0x164: {  	v35 =	vor.u32 $0x80, v35;
	(erf) = vrcp.f32 v17  }
0x165: {  	v29 =	vand.u32 $0xFFFF0000, v29;
	v30 =	vand.u32 $0xFFFF0000, v30;
	(erf) = vrcp.f32 v13  }
0x166: {  	v16 =	vadd.f32 v30, v29;
	v17 =	vadd.f32 v44, v61;
	v44 =	vpop (erf);
	(erf) = vrcp.f32 v14  }
0x167: {  	v33 =	vld.idx.msk [tilespmem:v33+s2+$0x0], $0xffff;
	v29 =	vadd.f32 v32, v31;
	v31 =	vadd.f32 v47, v62;
	v47 =	vpop (erf);
	(erf) = vrcp.f32 v12  }
0x168: {  	v43 =	vld.idx.msk [tilespmem:v43+s2+$0x0], $0xffff;
	v48 =	vpop (erf);
	(erf) = vrcp.f32 v10  }
0x169: {  	v26 =	vadd.f32 $1.000000000e+00, v26;
	v25 =	vadd.f32 $1.000000000e+00, v25;
	v50 =	vpop (erf);
	(erf) = vrcp.f32 v7  }
0x16a: {  	v35 =	vld.idx.msk [tilespmem:v35+s2+$0x0], $0xffff;
	v52 =	vand.u32 $0xFFFF0000, v52;
	v53 =	vand.u32 $0xFFFF0000, v53;
	v10 =	vpop (erf);
	(erf) = vrcp.f32 v23  }
0x16b: {  	v52 =	vadd.f32 v53, v52;
	v5 =	vadd.f32 v5, v27;
	[tilespmem:s18+$0xFFFFFF30] =	vst v10;
	v10 =	vpop (erf);
	(erf) = vrcp.f32 v6;
	v6 =	vld [tilespmem:$0x1FF10]  }
0x16c: {  	v8 =	vadd.f32 v8, v63;
	v63 =	vshll.u32 v33, $0x10;
	v27 =	vshll.u32 v59, $0x10  }
0x16d: {  	v53 =	vshll.u32 v43, $0x10;
	v43 =	vand.u32 $0xFFFF0000, v43;
	v27 =	vadd.f32 v27, v63;
	v63 =	vld [tilespmem:$0x1FFE0]  }
0x16e: {  	v33 =	vand.u32 $0xFFFF0000, v33;
	v2 =	vadd.f32 v55, v2;
	v34 =	vadd.f32 v34, v11  }
0x16f: {  	v59 =	vand.u32 $0xFFFF0000, v59;
	v45 =	vshll.u32 v35, $0x10;
	[tilespmem:s18+$0xFFFFFFB0] =	vst v10;
	v10 =	vpop (erf);
	(erf) = vrcp.f32 v26  }
0x170: {  	v35 =	vand.u32 $0xFFFF0000, v35;
	v45 =	vadd.f32 v53, v45;
	[tilespmem:s18+$0x30] =	vst v10;
	v10 =	vpop (erf);
	(erf) = vrcp.f32 v6;
	v6 =	vld [tilespmem:$0x1FF20]  }
0x171: {  	v35 =	vadd.f32 v43, v35;
	v19 =	vadd.f32 v59, v33  }
0x172: {  	v59 =	vadd.f32 v57, v40;
	v1 =	vadd.f32 v1, v63  }
0x173: {  	v3 =	vadd.f32 v3, v63;
	v8 =	vadd.f32 v8, v63  }
0x174: {  	v9 =	vadd.f32 v9, v11;
	v35 =	vadd.f32 v35, v11;
	[tilespmem:s18+$0xB0] =	vst v10;
	v10 =	vpop (erf);
	(erf) = vrcp.f32 v25  }
0x175: {  	v21 =	vadd.f32 v21, v11;
	v15 =	vadd.f32 v39, v11;
	[tilespmem:s18+$0xFFFFFF40] =	vst v10;
	v10 =	vpop (erf);
	(erf) = vrcp.f32 v6;
	v6 =	vld [tilespmem:$0x1FF30]  }
0x176: {  	v46 =	vand.u32 $0xFFFF0000, v46;
	v1 =	vsub.f32 $0.0e+00, v1;
	v3 =	vsub.f32 $0.0e+00, v3  }
0x177: {  	v38 =	vand.u32 $0xFFFF0000, v38;
	v8 =	vsub.f32 $0.0e+00, v8;
	v9 =	vsub.f32 $0.0e+00, v9  }
0x178: {  	v22 =	vadd.f32 v46, v38;
	v21 =	vsub.f32 $0.0e+00, v21  }
0x179: {  	v20 =	vadd.f32 v49, v61;
	v13 =	vadd.f32 v37, v11  }
0x17a: {  	v0 =	vadd.f32 v0, v61;
	v4 =	vadd.f32 v4, v61;
	[tilespmem:s18+$0xFFFFFFC0] =	vst v10;
	v10 =	vpop (erf);
	(erf) = vrcp.f32 v6;
	v6 =	vld [tilespmem:$0x1FF40]  }
0x17b: {  	v5 =	vadd.f32 v5, v61;
	v2 =	vadd.f32 v2, v61  }
0x17c: {  	v27 =	vadd.f32 v27, v61;
	v15 =	vsub.f32 $0.0e+00, v15;
	v1 =	vmul.f32 $1.442695020e+00, v1  }
0x17d: {  	v22 =	vadd.f32 v22, v11;
	v20 =	vsub.f32 $0.0e+00, v20;
	[tilespmem:s18+$0x40] =	vst v10;
	v10 =	vpop (erf);
	(erf) = vrcp.f32 v24  }
0x17e: {  	v17 =	vsub.f32 $0.0e+00, v17;
	v13 =	vsub.f32 $0.0e+00, v13;
	[tilespmem:s18+$0xC0] =	vst v10;
	v10 =	vpop (erf);
	(erf) = vrcp.f32 v28  }
0x17f: {  	v0 =	vsub.f32 $0.0e+00, v0;
	v4 =	vsub.f32 $0.0e+00, v4;
	[tilespmem:s18+$0xFFFFFF50] =	vst v10;
	v10 =	vpop (erf);
	(erf) = vrcp.f32 v6  }
0x180: {  	v3 =	vmul.f32 $1.442695020e+00, v3;
	v5 =	vsub.f32 $0.0e+00, v5;
	v2 =	vsub.f32 $0.0e+00, v2;
	[tilespmem:s18+$0xFFFFFFD0] =	vst v10;
	v10 =	vpop (erf)  }
0x181: {  	v8 =	vmul.f32 $1.442695020e+00, v8;
	v30 =	vadd.f32 v41, v62;
	v14 =	vadd.f32 v52, v62;
	[tilespmem:s18+$0x50] =	vst v10;
	v10 =	vpop (erf)  }
0x182: {  	v9 =	vmul.f32 $1.442695020e+00, v9;
	v12 =	vadd.f32 v42, v63;
	v49 =	vadd.f32 v54, v62;
	[tilespmem:s18+$0xD0] =	vst v10;
	v10 =	vpop (erf)  }
0x183: {  	v15 =	vmul.f32 $1.442695020e+00, v15;
	v51 =	vadd.f32 v56, v62;
	v52 =	vadd.f32 v45, v63;
	[tilespmem:s18+$0xFFFFFF60] =	vst v10;
	v10 =	vpop (erf)  }
0x184: {  	v18 =	vadd.f32 v18, v62;
	v19 =	vadd.f32 v19, v62;
	v20 =	vmul.f32 $1.442695020e+00, v20;
	[tilespmem:s18+$0xFFFFFFE0] =	vst v10;
	v10 =	vpop (erf)  }
0x185: {  	v17 =	vmul.f32 $1.442695020e+00, v17;
	v13 =	vmul.f32 $1.442695020e+00, v13;
	v28 =	vsub.f32 $0.0e+00, v30;
	[tilespmem:s18+$0x60] =	vst v10;
	v10 =	vpop (erf)  }
0x186: {  	v16 =	vadd.f32 v16, v62;
	v0 =	vmul.f32 $1.442695020e+00, v0;
	v4 =	vmul.f32 $1.442695020e+00, v4;
	[tilespmem:s18+$0xE0] =	vst v10;
	v10 =	vpop (erf)  }
0x187: {  	v54 =	vsub.f32 $0.0e+00, v35;
	v5 =	vmul.f32 $1.442695020e+00, v5;
	v28 =	vmul.f32 $1.442695020e+00, v28;
	[tilespmem:s18+$0xFFFFFF70] =	vst v10;
	v10 =	vpop (erf)  }
0x188: {  	v2 =	vmul.f32 $1.442695020e+00, v2;
	v14 =	vsub.f32 $0.0e+00, v14;
	[tilespmem:s16+$0xFFFFFFF0] =	vst v10;
	v10 =	vpop (erf);
	(erf) = vpow2.f32 v20  }
0x189: {  	v24 =	vadd.f32 v29, v63;
	v29 =	vsub.f32 $0.0e+00, v31;
	(erf) = vpow2.f32 v28  }
0x18a: {  	v12 =	vsub.f32 $0.0e+00, v12;
	v11 =	vsub.f32 $0.0e+00, v49;
	(erf) = vpow2.f32 v1  }
0x18b: {  	v53 =	vsub.f32 $0.0e+00, v52;
	v29 =	vmul.f32 $1.442695020e+00, v29;
	(erf) = vpow2.f32 v15  }
0x18c: {  	v18 =	vsub.f32 $0.0e+00, v18;
	v55 =	vmul.f32 $1.442695020e+00, v54;
	(erf) = vpow2.f32 v17  }
0x18d: {  	v23 =	vadd.f32 v60, v61;
	v60 =	vmul.f32 $1.442695020e+00, v21;
	(erf) = vpow2.f32 v29  }
0x18e: {  	v16 =	vsub.f32 $0.0e+00, v16;
	v14 =	vmul.f32 $1.442695020e+00, v14;
	(erf) = vpow2.f32 v3  }
0x18f: {  	v11 =	vmul.f32 $1.442695020e+00, v11;
	v30 =	vsub.f32 $0.0e+00, v34;
	(erf) = vpow2.f32 v13  }
0x190: {  	[tilespmem:s16+$0x70] =	vst v10;
	v10 =	vmul.f32 $1.442695020e+00, v12;
	v12 =	vsub.f32 $0.0e+00, v22;
	(erf) = vpow2.f32 v0  }
0x191: {  	v22 =	vsub.f32 $0.0e+00, v27;
	v27 =	vmul.f32 $1.442695020e+00, v30;
	v62 =	vpop (erf);
	(erf) = vpow2.f32 v14  }
0x192: {  	v26 =	vadd.f32 v58, v63;
	v25 =	vadd.f32 v59, v63;
	v6 =	vld [tilespmem:$0x1FF50];
	v63 =	vpop (erf);
	(erf) = vpow2.f32 v10  }
0x193: {  	v19 =	vsub.f32 $0.0e+00, v19;
	v56 =	vmul.f32 $1.442695020e+00, v18;
	v41 =	vpop (erf);
	(erf) = vpow2.f32 v27  }
0x194: {  	v39 =	vmul.f32 $1.442695020e+00, v16;
	v23 =	vsub.f32 $0.0e+00, v23;
	v42 =	vpop (erf);
	(erf) = vpow2.f32 v4  }
0x195: {  	v58 =	vmul.f32 $1.442695020e+00, v19;
	v31 =	vsub.f32 $0.0e+00, v51;
	v43 =	vpop (erf);
	(erf) = vpow2.f32 v11  }
0x196: {  	v26 =	vsub.f32 $0.0e+00, v26;
	v61 =	vmul.f32 $1.442695020e+00, v23;
	v46 =	vpop (erf);
	(erf) = vpow2.f32 v8  }
0x197: {  	[tilespmem:s18+$0xFFFFFFA0] =	vst v47;
	v45 =	vadd.f32 $1.000000000e+00, v6;
	v6 =	vld [tilespmem:$0x1FF60];
	v30 =	vmul.f32 $1.442695020e+00, v31;
	v47 =	vpop (erf);
	(erf) = vpow2.f32 v9  }
0x198: {  	[tilespmem:s18+$0x20] =	vst v48;
	v25 =	vsub.f32 $0.0e+00, v25;
	v31 =	vmul.f32 $1.442695020e+00, v53;
	v48 =	vpop (erf);
	(erf) = vpow2.f32 v5  }
0x199: {  	v26 =	vmul.f32 $1.442695020e+00, v26;
	v24 =	vsub.f32 $0.0e+00, v24;
	v49 =	vpop (erf);
	(erf) = vpow2.f32 v30  }
0x19a: {  	[tilespmem:s18+$0xA0] =	vst v50;
	v59 =	vmul.f32 $1.442695020e+00, v25;
	v50 =	vpop (erf);
	(erf) = vpow2.f32 v31  }
0x19b: {  	v40 =	vmul.f32 $1.442695020e+00, v24;
	v51 =	vpop (erf);
	(erf) = vpow2.f32 v55  }
0x19c: {  	[tilespmem:s18+$0xFFFFFF20] =	vst v44;
	v44 =	vadd.f32 $1.000000000e+00, v6;
	v12 =	vmul.f32 $1.442695020e+00, v12;
	v52 =	vpop (erf);
	(erf) = vpow2.f32 v2  }
0x19d: {  	v57 =	vmul.f32 $1.442695020e+00, v22;
	v0 =	vadd.f32 $1.000000000e+00, v62;
	v53 =	vpop (erf);
	(erf) = vpow2.f32 v56  }
0x19e: {  	v1 =	vadd.f32 $1.000000000e+00, v63;
	v25 =	vadd.f32 $1.000000000e+00, v41;
	v54 =	vpop (erf);
	(erf) = vpow2.f32 v26  }
0x19f: {  	v28 =	vadd.f32 $1.000000000e+00, v42;
	v23 =	vadd.f32 $1.000000000e+00, v43;
	v55 =	vpop (erf);
	(erf) = vpow2.f32 v12  }
0x1a0: {  	v24 =	vadd.f32 $1.000000000e+00, v46;
	v6 =	vadd.f32 $1.000000000e+00, v47;
	v56 =	vpop (erf);
	(erf) = vpow2.f32 v57  }
0x1a1: {  	v7 =	vadd.f32 $1.000000000e+00, v48;
	v18 =	vadd.f32 $1.000000000e+00, v49;
	v57 =	vpop (erf);
	(erf) = vpow2.f32 v58  }
0x1a2: {  	s19 =	sadd.s32 $0x8, s19;
	v22 =	vadd.f32 $1.000000000e+00, v50;
	v19 =	vadd.f32 $1.000000000e+00, v51;
	v58 =	vpop (erf);
	(erf) = vpow2.f32 v59  }
0x1a3: {  	p1 =	slt.u32 s19, $0x138;
	v21 =	vadd.f32 $1.000000000e+00, v52;
	v16 =	vadd.f32 $1.000000000e+00, v53;
	v59 =	vpop (erf);
	(erf) = vpow2.f32 v60  }
.Ltmp0:
0x1a4: {  	v20 =	vadd.f32 $1.000000000e+00, v54;
	v15 =	vadd.f32 $1.000000000e+00, v55;
	v60 =	vpop (erf);
	(erf) = vpow2.f32 v61;
	(pc) =	sbr.rel @p1 .LBB2_2-.Ltmp0, $4  }
0x1a5: {  	v17 =	vadd.f32 $1.000000000e+00, v56;
	v13 =	vadd.f32 $1.000000000e+00, v57;
	v61 =	vpop (erf);
	(erf) = vpow2.f32 v39  }
0x1a6: {  	v14 =	vadd.f32 $1.000000000e+00, v58;
	v12 =	vadd.f32 $1.000000000e+00, v59;
	v62 =	vpop (erf);
	(erf) = vpow2.f32 v40  }
0x1a7: {  	v10 =	vadd.f32 $1.000000000e+00, v60;
	v27 =	vadd.f32 $1.000000000e+00, v61;
	(erf) = vrcp.f32 v0;
	v63 =	vpop (erf)  }
0x1a8: {  	s20 =	sadd.s32 $0x100, s20;
	s16 =	smov.u32 s18;
	s18 =	smov.u32 s17;
	v11 =	vadd.f32 $1.000000000e+00, v62;
	v9 =	vadd.f32 $1.000000000e+00, v63;
	(erf) = vrcp.f32 v1;
	v26 =	vpop (erf)  }
0x1a9: {  	(erf) = vrcp.f32 v25;
	v0 =	vpop (erf)  }
0x1aa: {  	(erf) = vrcp.f32 v28;
	v1 =	vpop (erf)  }
0x1ab: {  	(erf) = vrcp.f32 v23;
	v2 =	vpop (erf)  }
0x1ac: {  	(erf) = vrcp.f32 v24;
	v3 =	vpop (erf)  }
0x1ad: {  	(erf) = vrcp.f32 v6;
	v4 =	vpop (erf)  }
0x1ae: {  	(erf) = vrcp.f32 v7;
	v5 =	vpop (erf)  }
0x1af: {  	v63 =	vpop (erf);
	(erf) = vrcp.f32 v18  }
0x1b0: {  	v23 =	vpop (erf);
	(erf) = vrcp.f32 v22  }
0x1b1: {  	[tilespmem:s17+$0xFFFFFF00] =	vst v23;
	v24 =	vpop (erf);
	(erf) = vrcp.f32 v19  }
0x1b2: {  	[tilespmem:s17+$0xFFFFFF80] =	vst v24;
	v25 =	vpop (erf);
	(erf) = vrcp.f32 v21  }
0x1b3: {  	[tilespmem:s17+$0x0] =	vst v25;
	v28 =	vpop (erf);
	(erf) = vrcp.f32 v16  }
0x1b4: {  	[tilespmem:s17+$0x80] =	vst v28;
	v29 =	vpop (erf);
	(erf) = vrcp.f32 v20  }
0x1b5: {  	[tilespmem:s17+$0xFFFFFF10] =	vst v29;
	v30 =	vpop (erf);
	(erf) = vrcp.f32 v15  }
0x1b6: {  	[tilespmem:s17+$0xFFFFFF90] =	vst v30;
	v31 =	vpop (erf);
	(erf) = vrcp.f32 v17  }
0x1b7: {  	[tilespmem:s17+$0x10] =	vst v31;
	v32 =	vpop (erf);
	(erf) = vrcp.f32 v13  }
0x1b8: {  	[tilespmem:s17+$0x90] =	vst v32;
	v33 =	vpop (erf);
	(erf) = vrcp.f32 v14  }
0x1b9: {  	[tilespmem:s18+$0xFFFFFF20] =	vst v33;
	v34 =	vpop (erf);
	(erf) = vrcp.f32 v12  }
0x1ba: {  	[tilespmem:s18+$0xFFFFFFA0] =	vst v34;
	v35 =	vpop (erf);
	(erf) = vrcp.f32 v10  }
0x1bb: {  	[tilespmem:s18+$0x20] =	vst v35;
	v36 =	vpop (erf);
	(erf) = vrcp.f32 v27  }
0x1bc: {  	v8 =	vadd.f32 $1.000000000e+00, v26;
	[tilespmem:s18+$0xA0] =	vst v36;
	v37 =	vpop (erf);
	(erf) = vrcp.f32 v11  }
0x1bd: {  	v0 =	vadd.f32 $1.000000000e+00, v0;
	[tilespmem:s18+$0xFFFFFF30] =	vst v37;
	v38 =	vpop (erf);
	(erf) = vrcp.f32 v9  }
0x1be: {  	v1 =	vadd.f32 $1.000000000e+00, v1;
	[tilespmem:s18+$0xFFFFFFB0] =	vst v38;
	v39 =	vpop (erf);
	(erf) = vrcp.f32 v8  }
0x1bf: {  	v2 =	vadd.f32 $1.000000000e+00, v2;
	[tilespmem:s18+$0x30] =	vst v39;
	v40 =	vpop (erf);
	(erf) = vrcp.f32 v0  }
0x1c0: {  	v41 =	vadd.f32 $1.000000000e+00, v3;
	[tilespmem:s18+$0xB0] =	vst v40;
	v42 =	vpop (erf);
	(erf) = vrcp.f32 v1  }
0x1c1: {  	v43 =	vadd.f32 $1.000000000e+00, v4;
	[tilespmem:s18+$0xFFFFFF40] =	vst v42;
	v46 =	vpop (erf);
	(erf) = vrcp.f32 v2  }
0x1c2: {  	[tilespmem:s18+$0xFFFFFFC0] =	vst v46;
	v47 =	vpop (erf);
	(erf) = vrcp.f32 v41  }
0x1c3: {  	[tilespmem:s18+$0x40] =	vst v47;
	v48 =	vpop (erf);
	(erf) = vrcp.f32 v43  }
0x1c4: {  	v50 =	vadd.f32 $1.000000000e+00, v5;
	[tilespmem:s18+$0xC0] =	vst v48;
	v49 =	vpop (erf);
	(erf) = vrcp.f32 v45  }
0x1c5: {  	v52 =	vadd.f32 $1.000000000e+00, v63;
	[tilespmem:s18+$0xFFFFFF50] =	vst v49;
	v51 =	vpop (erf);
	(erf) = vrcp.f32 v44  }
0x1c6: {  	[tilespmem:s18+$0xFFFFFFD0] =	vst v51;
	v53 =	vpop (erf);
	(erf) = vrcp.f32 v50  }
0x1c7: {  	[tilespmem:s18+$0x50] =	vst v53;
	v54 =	vpop (erf);
	(erf) = vrcp.f32 v52  }
0x1c8: {  	[tilespmem:s18+$0xD0] =	vst v54;
	v55 =	vpop (erf)  }
0x1c9: {  	[tilespmem:s18+$0xFFFFFF60] =	vst v55;
	v56 =	vpop (erf)  }
0x1ca: {  	[tilespmem:s18+$0xFFFFFFE0] =	vst v56;
	v57 =	vpop (erf)  }
0x1cb: {  	[tilespmem:s18+$0x60] =	vst v57;
	v58 =	vpop (erf)  }
0x1cc: {  	[tilespmem:s18+$0xE0] =	vst v58;
	v59 =	vpop (erf)  }
0x1cd: {  	[tilespmem:s18+$0xFFFFFF70] =	vst v59;
	v60 =	vpop (erf)  }
0x1ce: {  	[tilespmem:s16+$0xFFFFFFF0] =	vst v60;
	v61 =	vpop (erf)  }
0x1cf: {  	[tilespmem:s16+$0x70] =	vst v61;
	v62 =	vpop (erf)  }
0x1d0: {  	[tilespmem:s18+$0xFFFFFFF0] =	vst v62;
	v63 =	vpop (erf)  }
0x1d1: {  	[tilespmem:s18+$0x70] =	vst v63  }
0x1d2: {  	[hbm4b:s6+s2] =	stream.linear.scatter [tilespmem:s14], [sflag:$0x1], $0x1400, $0x38;
	[tilespmem:$0x11800] =	vst v63  }
0x1d3: {  	s15 =	sadd.s32 $0x1, s15;
	_ =	swait.ge [sflag:s10], $0x1400  }
0x1d4: {  	p1 =	sne.s32 s15, s9;
	[sflag:s10] =	ssyncset.done $0x0  }
0x1d5: {  	s17 =	simm.s32 @!p0 $0xDA00;
	s16 =	simm.s32 @!p0 $0x0;
	[sflag:s10] =	ssyncadd.s32 $0xFFFFEC00  }
0x1d6: {  	[hbm4b:s8+s16] =	stream.linear.scatter @!p0 [tilespmem:s17], [sflag:$0x1], $0x3C00, $0x38;
	[tilespmem:$0x11800] =	vst v63  }
.Ltmp1:
0x1d7: {  	_ = 	snop;
	(pc) =	sbr.rel @p1 .LBB2_1-.Ltmp1, $4  }
0x1d8: {  	s16 =	simm.s32 @!p0 $0x1  }
0x1d9: {  	_ =	swait.ge @!p0 [sflag:s16], $0x3C00  }
0x1da: {  	[sflag:s16] =	ssyncset.done @!p0 $0x0  }
0x1db: {  	[sflag:s16] =	ssyncadd.s32 @!p0 $0xFFFFC400  }
0x1dc: {  	_ =	sfence.sel $0x180000  }
0x1dd: {  	[bflag:$0x0] =	sbarrier.arrive $0xFFFF  }
0x1de: {  	p0 =	sne.s32 s1, $0x0;
	_ =	strace $0x90000047  }
0x1df: {  	s0 =	sadd.s32 @!p0 $0x100000, s0;
	[bflag:$0x2] =	sbarrier.arrive $0xFFFF  }
0x1e0: {  	[sflag:s0] =	ssyncadd.tile.s32 @!p0 $0x1;
	_ =	shalt  }
.Lfunc_end2:
_tile_overlayer_lowered:
.L_overlay_start_2:
0x1e1: {  	(tag) =	ssettag $0x2  }
0x1e2: {  	s0 =	rddreg [dreg:$0x0];
	s2 =	stileid.u32  }
0x1e3: {  	s1 =	rddreg [dreg:$0x1];
	p0 =	sne.s32 s2, $0x0  }
0x1e4: {  	s3 =	rddreg [dreg:$0x2];
	[bflag:$0x3] =	sbarrier.arrive $0xFFFF;
	s2 =	simm.s32 @!p0 $0x1C01  }
0x1e5: {  	[timem:s3], [sflag:s2] =	dma.local @!p0 [hbm:s0], s1  }
0x1e6: {  	s0 =	simm.s32 @!p0 $0x1  }
0x1e7: {  	_ =	swait.ge @!p0 [sflag:s0], s1  }
0x1e8: {  	s1 =	ssub.s32 @!p0 $0x0, s1;
	[sflag:s0] =	ssyncset.done @!p0 $0x0  }
0x1e9: {  	[sflag:s0] =	ssyncadd.s32 @!p0 s1  }
0x1ea: {  	[bflag:$0x3] =	sbarrier.arrive $0xFFFF  }
0x1eb: {  	_ =	shalt  }

</sc_bundles>
